<compile_context>
chip_gen: v7x
topology: tpu7x:2x2x1
jax: 0.10.2.dev20260603
libtpu: 0.0.44.dev20260713+nightly
codegen_flags: <defaults>
</compile_context>

<pallas_src>
import functools

import jax
import jax.numpy as jnp
from jax import lax
from jax.experimental import pallas as pl
from jax.experimental.pallas import tpu as pltpu
from jax.experimental.pallas import tpu_sc as plsc

B = 16384
DIM = 64
N = 1_000_000
NC = 2
NS = 16
NW = NC * NS
CHUNK = 512
NCHK = 62
NCHKTOT = NW * NCHK
CBL = 2048
TAIL = N - N % CHUNK


def _sc_stream_gather(rs_u, bs_u, cb_u, tTu, rs_i, bs_i, cb_i, tTi):
    mesh = plsc.VectorSubcoreMesh(core_axis_name="c", subcore_axis_name="s")

    @functools.partial(
        pl.kernel,
        out_type=[
            jax.ShapeDtypeStruct((B, 128), jnp.float32),
            jax.ShapeDtypeStruct((B, 128), jnp.float32),
        ],
        mesh=mesh,
        scratch_types=[
            pltpu.VMEM_SHARED((NS, 2, 64, CHUNK), jnp.float32),
            pltpu.VMEM((B,), jnp.int32),
            pltpu.VMEM((B,), jnp.int32),
            pltpu.VMEM((CBL,), jnp.int32),
            pltpu.VMEM((16, 128), jnp.float32),
            pltpu.SemaphoreType.DMA,
            pltpu.SemaphoreType.DMA,
            pltpu.SemaphoreType.DMA,
        ],
        compiler_params=pltpu.CompilerParams(
            use_tc_tiling_on_sc=True, needs_layout_passes=False),
    )
    def k(rsu_h, bsu_h, cbu_h, tTu_h, tlu_h, rsi_h, bsi_h, cbi_h, tTi_h,
          tli_h, uout_h, iout_h, chunk_v, rs_v, bs_v, cb_v, rows_v,
          sem0, sem1, osem):
        wid = lax.axis_index("s") * NC + lax.axis_index("c")
        sid = lax.axis_index("s")
        chunk_v = chunk_v.at[sid]
        iota16 = lax.broadcasted_iota(jnp.int32, (16,), 0)

        def scalar_at(pos):
            vals = plsc.load_gather(cb_v, [jnp.full((16,), pos, jnp.int32)])
            return jnp.max(vals)

        def one_table(rs_h, bs_h, cb_h, tT_h, tail_h, out_h):
            pltpu.sync_copy(cb_h, cb_v)
            pltpu.sync_copy(rs_h, rs_v)
            pltpu.sync_copy(bs_h, bs_v)

            def chunk_dma(kk, slot, sem):
                cid = wid * NCHK + kk
                clo = cid * CHUNK
                is_tail = clo >= TAIL

                @pl.when(jnp.logical_not(is_tail))
                def _():
                    coff = pl.multiple_of(jnp.minimum(clo, N - CHUNK), 128)
                    for a in range(8):
                        pltpu.async_copy(
                            tT_h.at[pl.ds(a * 8, 8), pl.ds(coff, CHUNK)],
                            chunk_v.at[slot, pl.ds(a * 8, 8)], sem)

                @pl.when(is_tail)
                def _():
                    pltpu.async_copy(tail_h, chunk_v.at[slot], sem)

            def chunk_wait(slot, sem):
                pltpu.make_async_copy(
                    tT_h.at[:, pl.ds(0, CHUNK)], chunk_v.at[slot], sem
                ).wait()

            chunk_dma(0, 0, sem0)

            def chunk_body(kk, _):
                slot = lax.rem(kk, 2)

                @pl.when(kk + 1 < NCHK)
                def _():
                    @pl.when(slot == 0)
                    def _():
                        chunk_dma(kk + 1, 1, sem1)

                    @pl.when(slot == 1)
                    def _():
                        chunk_dma(kk + 1, 0, sem0)

                @pl.when(slot == 0)
                def _():
                    chunk_wait(0, sem0)

                @pl.when(slot == 1)
                def _():
                    chunk_wait(1, sem1)

                cid = wid * NCHK + kk
                lo = scalar_at(cid)
                hi = scalar_at(cid + 1)

                @pl.when(hi > lo)
                def _():
                    clo = cid * CHUNK
                    is_tail = clo >= TAIL
                    sbase = jnp.where(is_tail, N - CHUNK, clo)
                    glo = lax.div(lo, 16)
                    ghi = lax.div(hi + 15, 16)

                    def g_body(g, _):
                        goff = pl.multiple_of(g * 16, 8)
                        rvec = rs_v[pl.ds(goff, 16)]
                        bvec = bs_v[pl.ds(goff, 16)]
                        inb = (rvec >= clo) & (rvec < clo + CHUNK)
                        rrel = jnp.clip(rvec - sbase, 0, CHUNK - 1)

                        def d_body(d, _):
                            dvec = jnp.full((16,), d, jnp.int32)
                            vals = plsc.load_gather(
                                rows_v, [dvec, jnp.clip(rrel, 0, 127)])
                            plsc.store_scatter(rows_v, [iota16, dvec], vals)
                            return 0

                        lax.fori_loop(0, DIM, d_body, 0)
                        bmask = jnp.where(inb, bvec, -1)
                        pltpu.async_copy(
                            rows_v,
                            out_h.at[plsc.Indices(bmask, ignored_value=-1)],
                            osem).wait()
                        return 0

                    lax.fori_loop(glo, ghi, g_body, 0)
                return 0

            lax.fori_loop(0, NCHK, chunk_body, 0)

        one_table(rsu_h, bsu_h, cbu_h, tTu_h, tlu_h, uout_h)
        one_table(rsi_h, bsi_h, cbi_h, tTi_h, tli_h, iout_h)

    return k(rs_u, bs_u, cb_u, tTu, tTu[:, N - CHUNK:], rs_i, bs_i, cb_i,
             tTi, tTi[:, N - CHUNK:])


BLK = 2048


def _tc_mlp(u_rows, i_rows, w1t, b1_row, w2_row):
    def body(u_ref, i_ref, w1t_ref, b1_ref, w2_ref, out_ref):
        z = jnp.concatenate(
            [u_ref[...][:, :DIM], i_ref[...][:, :DIM]], axis=1)
        h = lax.dot_general(z, w1t_ref[...], (((1,), (0,)), ((), ())),
                            preferred_element_type=jnp.float32)
        h = jnp.maximum(h + b1_ref[...], 0.0)
        out_ref[...] = jnp.sum(h * w2_ref[...], axis=1, keepdims=True)

    out = pl.pallas_call(
        body,
        grid=(B // BLK,),
        in_specs=[
            pl.BlockSpec((BLK, 128), lambda i: (i, 0)),
            pl.BlockSpec((BLK, 128), lambda i: (i, 0)),
            pl.BlockSpec((2 * DIM, DIM), lambda i: (0, 0)),
            pl.BlockSpec((1, DIM), lambda i: (0, 0)),
            pl.BlockSpec((1, DIM), lambda i: (0, 0)),
        ],
        out_specs=pl.BlockSpec((BLK, 1), lambda i: (i, 0)),
        out_shape=jax.ShapeDtypeStruct((B, 1), jnp.float32),
    )(u_rows, i_rows, w1t, b1_row, w2_row)
    return out


def kernel(users, items, user_latent, item_latent, W1, b1, W2):
    iota = jnp.arange(B, dtype=jnp.int32)
    rs_u, bs_u = lax.sort_key_val(users, iota)
    rs_i, bs_i = lax.sort_key_val(items, iota)
    starts = jnp.arange(NCHKTOT + 1, dtype=jnp.int32) * CHUNK
    pad = jnp.full((CBL - NCHKTOT - 1,), B, jnp.int32)
    cb_u = jnp.concatenate(
        [jnp.searchsorted(rs_u, starts).astype(jnp.int32), pad])
    cb_i = jnp.concatenate(
        [jnp.searchsorted(rs_i, starts).astype(jnp.int32), pad])
    u_out, i_out = _sc_stream_gather(
        rs_u, bs_u, cb_u, user_latent.T, rs_i, bs_i, cb_i, item_latent.T)
    out = _tc_mlp(u_out, i_out, W1.T, b1.reshape(1, DIM), W2.reshape(1, DIM))
    return out.reshape(B)

# --- scband reference (transcript-rebuilt; emitter-appended) ---
"""Pipeline reference for scband-ncf-88313117540846 (READ-ONLY COPY).

The authoritative reference and input builder live on the scoring server;
editing this copy changes nothing except your own understanding.
"""

import jax, jax.numpy as jnp
import numpy as np

B = 16384
N_USER = 1000000
N_ITEM = 1000000
DIM = 64

def setup_inputs(seed: int = 0) -> dict:
    key = jax.random.key(seed)
    ks = jax.random.split(key, 8)
    users = jax.random.randint(ks[0], (B,), 0, N_USER, dtype=jnp.int64 if jax.config.jax_enable_x64 else jnp.int32).astype(jnp.int32)
    items = jax.random.randint(ks[1], (B,), 0, N_ITEM, dtype=jnp.int32)
    # kaiming-normal-ish init for embedding tables
    user_latent = jax.random.normal(ks[2], (N_USER, DIM), dtype=jnp.float32) * np.sqrt(2.0 / DIM)
    item_latent = jax.random.normal(ks[3], (N_ITEM, DIM), dtype=jnp.float32) * np.sqrt(2.0 / DIM)
    # linear_1: in=2*DIM, out=DIM (torch Linear weight layout [out, in])
    W1 = jax.random.normal(ks[4], (DIM, 2 * DIM), dtype=jnp.float32) * np.sqrt(1.0 / (2 * DIM))
    b1 = jax.random.normal(ks[5], (DIM,), dtype=jnp.float32) * np.sqrt(1.0 / (2 * DIM))
    # linear_2: in=DIM, out=1, no bias
    W2 = jax.random.normal(ks[6], (1, DIM), dtype=jnp.float32) * np.sqrt(1.0 / DIM)
    return {"users": users, "items": items, "user_latent": user_latent, "item_latent": item_latent, "W1": W1, "b1": b1, "W2": W2}

def reference(users, items, user_latent, item_latent, W1, b1, W2):
    # dropout p=0 -> identity
    u_latent = jnp.take(user_latent, users, axis=0)
    i_latent = jnp.take(item_latent, items, axis=0)
    z_emb = jnp.concatenate([u_latent, i_latent], axis=1)
    h1 = z_emb @ W1.T + b1
    h1 = jax.nn.relu(h1)
    preds = h1 @ W2.T
    return jnp.squeeze(preds, axis=-1)

if __name__ == "__main__":
    import jax
    _d = setup_inputs()
    print(jax.jit(kernel)(*tuple(_d.values())))

</pallas_src>

<mosaic_0001>
#map = affine_map<(d0, d1) -> (0)>
#map1 = affine_map<(d0, d1) -> (0, 0)>
module attributes {stable_mosaic.version = 14 : i64} {
  func.func @k(%arg0: i32, %arg1: i32, %arg2: memref<16384xi32, #tpu.memory_space<hbm>>, %arg3: memref<16384xi32, #tpu.memory_space<hbm>>, %arg4: memref<2048xi32, #tpu.memory_space<hbm>>, %arg5: memref<64x1000000xf32, #tpu.memory_space<hbm>>, %arg6: memref<64x512xf32, #tpu.memory_space<hbm>>, %arg7: memref<16384xi32, #tpu.memory_space<hbm>>, %arg8: memref<16384xi32, #tpu.memory_space<hbm>>, %arg9: memref<2048xi32, #tpu.memory_space<hbm>>, %arg10: memref<64x1000000xf32, #tpu.memory_space<hbm>>, %arg11: memref<64x512xf32, #tpu.memory_space<hbm>>, %arg12: memref<16384x128xf32, #tpu.memory_space<hbm>>, %arg13: memref<16384x128xf32, #tpu.memory_space<hbm>>, %arg14: memref<16x2x64x512xf32, #tpu.memory_space<vmem_shared>>, %arg15: memref<16384xi32, #tpu.memory_space<vmem>>, %arg16: memref<16384xi32, #tpu.memory_space<vmem>>, %arg17: memref<2048xi32, #tpu.memory_space<vmem>>, %arg18: memref<16x128xf32, #tpu.memory_space<vmem>>, %arg19: memref<!tpu.dma_semaphore, #tpu.memory_space<semaphore_mem>>, %arg20: memref<!tpu.dma_semaphore, #tpu.memory_space<semaphore_mem>>, %arg21: memref<!tpu.dma_semaphore, #tpu.memory_space<semaphore_mem>>) attributes {dimension_semantics = [#tpu.dimension_semantics<core_parallel>, #tpu.dimension_semantics<subcore_parallel>], iteration_bounds = array<i64: 2, 16>, scalar_prefetch = 0 : i64, scratch_operands = 8 : i64, tpu.core_type = #tpu.core_type<sc_vector_subcore>, window_params = [{transform_indices = #map}, {transform_indices = #map}, {transform_indices = #map}, {transform_indices = #map1}, {transform_indices = #map1}, {transform_indices = #map}, {transform_indices = #map}, {transform_indices = #map}, {transform_indices = #map1}, {transform_indices = #map1}, {transform_indices = #map1}, {transform_indices = #map1}]} {
    %mul3A = arith.constant 2 : i32
    %mul3A_0 = arith.muli %arg1, %mul3A : i32
    %add3A = arith.addi %mul3A_0, %arg0 : i32
    %iota3A = tpu.iota {dimensions = array<i32: 0>} : vector<16xi32>
    "tpu.region"() ({
      %run_scoped3A = tpu.sem_alloc : memref<!tpu.dma_semaphore, #tpu.memory_space<semaphore_mem>>
      tpu.enqueue_dma source(%arg4 : memref<2048xi32, #tpu.memory_space<hbm>>) target(%arg17 : memref<2048xi32, #tpu.memory_space<vmem>>) target_semaphore(%run_scoped3A : memref<!tpu.dma_semaphore, #tpu.memory_space<semaphore_mem>>)
      tpu.wait_dma2 semaphore(%run_scoped3A : memref<!tpu.dma_semaphore, #tpu.memory_space<semaphore_mem>>) src(%arg4 : memref<2048xi32, #tpu.memory_space<hbm>>) dst(%arg17 : memref<2048xi32, #tpu.memory_space<vmem>>)
      tpu.yield
    }) : () -> ()
    "tpu.region"() ({
      %run_scoped3A = tpu.sem_alloc : memref<!tpu.dma_semaphore, #tpu.memory_space<semaphore_mem>>
      tpu.enqueue_dma source(%arg2 : memref<16384xi32, #tpu.memory_space<hbm>>) target(%arg15 : memref<16384xi32, #tpu.memory_space<vmem>>) target_semaphore(%run_scoped3A : memref<!tpu.dma_semaphore, #tpu.memory_space<semaphore_mem>>)
      tpu.wait_dma2 semaphore(%run_scoped3A : memref<!tpu.dma_semaphore, #tpu.memory_space<semaphore_mem>>) src(%arg2 : memref<16384xi32, #tpu.memory_space<hbm>>) dst(%arg15 : memref<16384xi32, #tpu.memory_space<vmem>>)
      tpu.yield
    }) : () -> ()
    "tpu.region"() ({
      %run_scoped3A = tpu.sem_alloc : memref<!tpu.dma_semaphore, #tpu.memory_space<semaphore_mem>>
      tpu.enqueue_dma source(%arg3 : memref<16384xi32, #tpu.memory_space<hbm>>) target(%arg16 : memref<16384xi32, #tpu.memory_space<vmem>>) target_semaphore(%run_scoped3A : memref<!tpu.dma_semaphore, #tpu.memory_space<semaphore_mem>>)
      tpu.wait_dma2 semaphore(%run_scoped3A : memref<!tpu.dma_semaphore, #tpu.memory_space<semaphore_mem>>) src(%arg3 : memref<16384xi32, #tpu.memory_space<hbm>>) dst(%arg16 : memref<16384xi32, #tpu.memory_space<vmem>>)
      tpu.yield
    }) : () -> ()
    %mul3A_1 = arith.constant 62 : i32
    %mul3A_2 = arith.muli %add3A, %mul3A_1 : i32
    %add3A_3 = arith.constant 0 : i32
    %add3A_4 = arith.addi %mul3A_2, %add3A_3 : i32
    %mul3A_5 = arith.constant 512 : i32
    %mul3A_6 = arith.muli %add3A_4, %mul3A_5 : i32
    %ge3A = arith.constant 999936 : i32
    %ge3A_7 = arith.cmpi sge, %mul3A_6, %ge3A : i32
    %not3A = arith.constant true
    %not3A_8 = arith.xori %ge3A_7, %not3A : i1
    %convert_element_type3A = arith.extui %not3A_8 : i1 to i32
    %cond3A = arith.constant 0 : i32
    %cond3A_9 = arith.cmpi ne, %convert_element_type3A, %cond3A : i32
    scf.if %cond3A_9 {
      %min3A = arith.constant 999488 : i32
      %min3A_42 = arith.minsi %mul3A_6, %min3A : i32
      %multiple_of3A = tpu.assume_multiple %min3A_42, 128 : i32
      %dma_start3A = arith.constant 0 : i32
      %dma_start3A_43 = arith.constant 0 : i32
      %dma_start3A_44 = arith.constant 0 : i32
      %dma_start3A_45 = arith.constant 0 : i32
      %dma_start3A_46 = tpu.memref_slice %arg14[%arg1, %dma_start3A_43, %dma_start3A_44, %dma_start3A_45] : memref<16x2x64x512xf32, #tpu.memory_space<vmem_shared>> -> memref<1x2x64x512xf32, #tpu.memory_space<vmem_shared>>
      %dma_start3A_47 = tpu.memref_squeeze %dma_start3A_46 : memref<1x2x64x512xf32, #tpu.memory_space<vmem_shared>> -> memref<2x64x512xf32, #tpu.memory_space<vmem_shared>>
      %dma_start3A_48 = arith.constant 0 : i32
      %dma_start3A_49 = arith.constant 0 : i32
      %dma_start3A_50 = tpu.memref_slice %dma_start3A_47[%dma_start3A, %dma_start3A_48, %dma_start3A_49] : memref<2x64x512xf32, #tpu.memory_space<vmem_shared>> -> memref<1x8x512xf32, #tpu.memory_space<vmem_shared>>
      %dma_start3A_51 = tpu.memref_squeeze %dma_start3A_50 : memref<1x8x512xf32, #tpu.memory_space<vmem_shared>> -> memref<8x512xf32, #tpu.memory_space<vmem_shared>>
      %dma_start3A_52 = arith.constant 0 : i32
      %dma_start3A_53 = tpu.memref_slice %arg5[%dma_start3A_52, %multiple_of3A] : memref<64x1000000xf32, #tpu.memory_space<hbm>> -> memref<8x512xf32, #tpu.memory_space<hbm>>
      tpu.enqueue_dma source(%dma_start3A_53 : memref<8x512xf32, #tpu.memory_space<hbm>>) target(%dma_start3A_51 : memref<8x512xf32, #tpu.memory_space<vmem_shared>>) target_semaphore(%arg19 : memref<!tpu.dma_semaphore, #tpu.memory_space<semaphore_mem>>)
      %dma_start3A_54 = arith.constant 0 : i32
      %dma_start3A_55 = arith.constant 0 : i32
      %dma_start3A_56 = arith.constant 0 : i32
      %dma_start3A_57 = arith.constant 0 : i32
      %dma_start3A_58 = tpu.memref_slice %arg14[%arg1, %dma_start3A_55, %dma_start3A_56, %dma_start3A_57] : memref<16x2x64x512xf32, #tpu.memory_space<vmem_shared>> -> memref<1x2x64x512xf32, #tpu.memory_space<vmem_shared>>
      %dma_start3A_59 = tpu.memref_squeeze %dma_start3A_58 : memref<1x2x64x512xf32, #tpu.memory_space<vmem_shared>> -> memref<2x64x512xf32, #tpu.memory_space<vmem_shared>>
      %dma_start3A_60 = arith.constant 8 : i32
      %dma_start3A_61 = arith.constant 0 : i32
      %dma_start3A_62 = tpu.memref_slice %dma_start3A_59[%dma_start3A_54, %dma_start3A_60, %dma_start3A_61] : memref<2x64x512xf32, #tpu.memory_space<vmem_shared>> -> memref<1x8x512xf32, #tpu.memory_space<vmem_shared>>
      %dma_start3A_63 = tpu.memref_squeeze %dma_start3A_62 : memref<1x8x512xf32, #tpu.memory_space<vmem_shared>> -> memref<8x512xf32, #tpu.memory_space<vmem_shared>>
      %dma_start3A_64 = arith.constant 8 : i32
      %dma_start3A_65 = tpu.memref_slice %arg5[%dma_start3A_64, %multiple_of3A] : memref<64x1000000xf32, #tpu.memory_space<hbm>> -> memref<8x512xf32, #tpu.memory_space<hbm>>
      tpu.enqueue_dma source(%dma_start3A_65 : memref<8x512xf32, #tpu.memory_space<hbm>>) target(%dma_start3A_63 : memref<8x512xf32, #tpu.memory_space<vmem_shared>>) target_semaphore(%arg19 : memref<!tpu.dma_semaphore, #tpu.memory_space<semaphore_mem>>)
      %dma_start3A_66 = arith.constant 0 : i32
      %dma_start3A_67 = arith.constant 0 : i32
      %dma_start3A_68 = arith.constant 0 : i32
      %dma_start3A_69 = arith.constant 0 : i32
      %dma_start3A_70 = tpu.memref_slice %arg14[%arg1, %dma_start3A_67, %dma_start3A_68, %dma_start3A_69] : memref<16x2x64x512xf32, #tpu.memory_space<vmem_shared>> -> memref<1x2x64x512xf32, #tpu.memory_space<vmem_shared>>
      %dma_start3A_71 = tpu.memref_squeeze %dma_start3A_70 : memref<1x2x64x512xf32, #tpu.memory_space<vmem_shared>> -> memref<2x64x512xf32, #tpu.memory_space<vmem_shared>>
      %dma_start3A_72 = arith.constant 16 : i32
      %dma_start3A_73 = arith.constant 0 : i32
      %dma_start3A_74 = tpu.memref_slice %dma_start3A_71[%dma_start3A_66, %dma_start3A_72, %dma_start3A_73] : memref<2x64x512xf32, #tpu.memory_space<vmem_shared>> -> memref<1x8x512xf32, #tpu.memory_space<vmem_shared>>
      %dma_start3A_75 = tpu.memref_squeeze %dma_start3A_74 : memref<1x8x512xf32, #tpu.memory_space<vmem_shared>> -> memref<8x512xf32, #tpu.memory_space<vmem_shared>>
      %dma_start3A_76 = arith.constant 16 : i32
      %dma_start3A_77 = tpu.memref_slice %arg5[%dma_start3A_76, %multiple_of3A] : memref<64x1000000xf32, #tpu.memory_space<hbm>> -> memref<8x512xf32, #tpu.memory_space<hbm>>
      tpu.enqueue_dma source(%dma_start3A_77 : memref<8x512xf32, #tpu.memory_space<hbm>>) target(%dma_start3A_75 : memref<8x512xf32, #tpu.memory_space<vmem_shared>>) target_semaphore(%arg19 : memref<!tpu.dma_semaphore, #tpu.memory_space<semaphore_mem>>)
      %dma_start3A_78 = arith.constant 0 : i32
      %dma_start3A_79 = arith.constant 0 : i32
      %dma_start3A_80 = arith.constant 0 : i32
      %dma_start3A_81 = arith.constant 0 : i32
      %dma_start3A_82 = tpu.memref_slice %arg14[%arg1, %dma_start3A_79, %dma_start3A_80, %dma_start3A_81] : memref<16x2x64x512xf32, #tpu.memory_space<vmem_shared>> -> memref<1x2x64x512xf32, #tpu.memory_space<vmem_shared>>
      %dma_start3A_83 = tpu.memref_squeeze %dma_start3A_82 : memref<1x2x64x512xf32, #tpu.memory_space<vmem_shared>> -> memref<2x64x512xf32, #tpu.memory_space<vmem_shared>>
      %dma_start3A_84 = arith.constant 24 : i32
      %dma_start3A_85 = arith.constant 0 : i32
      %dma_start3A_86 = tpu.memref_slice %dma_start3A_83[%dma_start3A_78, %dma_start3A_84, %dma_start3A_85] : memref<2x64x512xf32, #tpu.memory_space<vmem_shared>> -> memref<1x8x512xf32, #tpu.memory_space<vmem_shared>>
      %dma_start3A_87 = tpu.memref_squeeze %dma_start3A_86 : memref<1x8x512xf32, #tpu.memory_space<vmem_shared>> -> memref<8x512xf32, #tpu.memory_space<vmem_shared>>
      %dma_start3A_88 = arith.constant 24 : i32
      %dma_start3A_89 = tpu.memref_slice %arg5[%dma_start3A_88, %multiple_of3A] : memref<64x1000000xf32, #tpu.memory_space<hbm>> -> memref<8x512xf32, #tpu.memory_space<hbm>>
      tpu.enqueue_dma source(%dma_start3A_89 : memref<8x512xf32, #tpu.memory_space<hbm>>) target(%dma_start3A_87 : memref<8x512xf32, #tpu.memory_space<vmem_shared>>) target_semaphore(%arg19 : memref<!tpu.dma_semaphore, #tpu.memory_space<semaphore_mem>>)
      %dma_start3A_90 = arith.constant 0 : i32
      %dma_start3A_91 = arith.constant 0 : i32
      %dma_start3A_92 = arith.constant 0 : i32
      %dma_start3A_93 = arith.constant 0 : i32
      %dma_start3A_94 = tpu.memref_slice %arg14[%arg1, %dma_start3A_91, %dma_start3A_92, %dma_start3A_93] : memref<16x2x64x512xf32, #tpu.memory_space<vmem_shared>> -> memref<1x2x64x512xf32, #tpu.memory_space<vmem_shared>>
      %dma_start3A_95 = tpu.memref_squeeze %dma_start3A_94 : memref<1x2x64x512xf32, #tpu.memory_space<vmem_shared>> -> memref<2x64x512xf32, #tpu.memory_space<vmem_shared>>
      %dma_start3A_96 = arith.constant 32 : i32
      %dma_start3A_97 = arith.constant 0 : i32
      %dma_start3A_98 = tpu.memref_slice %dma_start3A_95[%dma_start3A_90, %dma_start3A_96, %dma_start3A_97] : memref<2x64x512xf32, #tpu.memory_space<vmem_shared>> -> memref<1x8x512xf32, #tpu.memory_space<vmem_shared>>
      %dma_start3A_99 = tpu.memref_squeeze %dma_start3A_98 : memref<1x8x512xf32, #tpu.memory_space<vmem_shared>> -> memref<8x512xf32, #tpu.memory_space<vmem_shared>>
      %dma_start3A_100 = arith.constant 32 : i32
      %dma_start3A_101 = tpu.memref_slice %arg5[%dma_start3A_100, %multiple_of3A] : memref<64x1000000xf32, #tpu.memory_space<hbm>> -> memref<8x512xf32, #tpu.memory_space<hbm>>
      tpu.enqueue_dma source(%dma_start3A_101 : memref<8x512xf32, #tpu.memory_space<hbm>>) target(%dma_start3A_99 : memref<8x512xf32, #tpu.memory_space<vmem_shared>>) target_semaphore(%arg19 : memref<!tpu.dma_semaphore, #tpu.memory_space<semaphore_mem>>)
      %dma_start3A_102 = arith.constant 0 : i32
      %dma_start3A_103 = arith.constant 0 : i32
      %dma_start3A_104 = arith.constant 0 : i32
      %dma_start3A_105 = arith.constant 0 : i32
      %dma_start3A_106 = tpu.memref_slice %arg14[%arg1, %dma_start3A_103, %dma_start3A_104, %dma_start3A_105] : memref<16x2x64x512xf32, #tpu.memory_space<vmem_shared>> -> memref<1x2x64x512xf32, #tpu.memory_space<vmem_shared>>
      %dma_start3A_107 = tpu.memref_squeeze %dma_start3A_106 : memref<1x2x64x512xf32, #tpu.memory_space<vmem_shared>> -> memref<2x64x512xf32, #tpu.memory_space<vmem_shared>>
      %dma_start3A_108 = arith.constant 40 : i32
      %dma_start3A_109 = arith.constant 0 : i32
      %dma_start3A_110 = tpu.memref_slice %dma_start3A_107[%dma_start3A_102, %dma_start3A_108, %dma_start3A_109] : memref<2x64x512xf32, #tpu.memory_space<vmem_shared>> -> memref<1x8x512xf32, #tpu.memory_space<vmem_shared>>
      %dma_start3A_111 = tpu.memref_squeeze %dma_start3A_110 : memref<1x8x512xf32, #tpu.memory_space<vmem_shared>> -> memref<8x512xf32, #tpu.memory_space<vmem_shared>>
      %dma_start3A_112 = arith.constant 40 : i32
      %dma_start3A_113 = tpu.memref_slice %arg5[%dma_start3A_112, %multiple_of3A] : memref<64x1000000xf32, #tpu.memory_space<hbm>> -> memref<8x512xf32, #tpu.memory_space<hbm>>
      tpu.enqueue_dma source(%dma_start3A_113 : memref<8x512xf32, #tpu.memory_space<hbm>>) target(%dma_start3A_111 : memref<8x512xf32, #tpu.memory_space<vmem_shared>>) target_semaphore(%arg19 : memref<!tpu.dma_semaphore, #tpu.memory_space<semaphore_mem>>)
      %dma_start3A_114 = arith.constant 0 : i32
      %dma_start3A_115 = arith.constant 0 : i32
      %dma_start3A_116 = arith.constant 0 : i32
      %dma_start3A_117 = arith.constant 0 : i32
      %dma_start3A_118 = tpu.memref_slice %arg14[%arg1, %dma_start3A_115, %dma_start3A_116, %dma_start3A_117] : memref<16x2x64x512xf32, #tpu.memory_space<vmem_shared>> -> memref<1x2x64x512xf32, #tpu.memory_space<vmem_shared>>
      %dma_start3A_119 = tpu.memref_squeeze %dma_start3A_118 : memref<1x2x64x512xf32, #tpu.memory_space<vmem_shared>> -> memref<2x64x512xf32, #tpu.memory_space<vmem_shared>>
      %dma_start3A_120 = arith.constant 48 : i32
      %dma_start3A_121 = arith.constant 0 : i32
      %dma_start3A_122 = tpu.memref_slice %dma_start3A_119[%dma_start3A_114, %dma_start3A_120, %dma_start3A_121] : memref<2x64x512xf32, #tpu.memory_space<vmem_shared>> -> memref<1x8x512xf32, #tpu.memory_space<vmem_shared>>
      %dma_start3A_123 = tpu.memref_squeeze %dma_start3A_122 : memref<1x8x512xf32, #tpu.memory_space<vmem_shared>> -> memref<8x512xf32, #tpu.memory_space<vmem_shared>>
      %dma_start3A_124 = arith.constant 48 : i32
      %dma_start3A_125 = tpu.memref_slice %arg5[%dma_start3A_124, %multiple_of3A] : memref<64x1000000xf32, #tpu.memory_space<hbm>> -> memref<8x512xf32, #tpu.memory_space<hbm>>
      tpu.enqueue_dma source(%dma_start3A_125 : memref<8x512xf32, #tpu.memory_space<hbm>>) target(%dma_start3A_123 : memref<8x512xf32, #tpu.memory_space<vmem_shared>>) target_semaphore(%arg19 : memref<!tpu.dma_semaphore, #tpu.memory_space<semaphore_mem>>)
      %dma_start3A_126 = arith.constant 0 : i32
      %dma_start3A_127 = arith.constant 0 : i32
      %dma_start3A_128 = arith.constant 0 : i32
      %dma_start3A_129 = arith.constant 0 : i32
      %dma_start3A_130 = tpu.memref_slice %arg14[%arg1, %dma_start3A_127, %dma_start3A_128, %dma_start3A_129] : memref<16x2x64x512xf32, #tpu.memory_space<vmem_shared>> -> memref<1x2x64x512xf32, #tpu.memory_space<vmem_shared>>
      %dma_start3A_131 = tpu.memref_squeeze %dma_start3A_130 : memref<1x2x64x512xf32, #tpu.memory_space<vmem_shared>> -> memref<2x64x512xf32, #tpu.memory_space<vmem_shared>>
      %dma_start3A_132 = arith.constant 56 : i32
      %dma_start3A_133 = arith.constant 0 : i32
      %dma_start3A_134 = tpu.memref_slice %dma_start3A_131[%dma_start3A_126, %dma_start3A_132, %dma_start3A_133] : memref<2x64x512xf32, #tpu.memory_space<vmem_shared>> -> memref<1x8x512xf32, #tpu.memory_space<vmem_shared>>
      %dma_start3A_135 = tpu.memref_squeeze %dma_start3A_134 : memref<1x8x512xf32, #tpu.memory_space<vmem_shared>> -> memref<8x512xf32, #tpu.memory_space<vmem_shared>>
      %dma_start3A_136 = arith.constant 56 : i32
      %dma_start3A_137 = tpu.memref_slice %arg5[%dma_start3A_136, %multiple_of3A] : memref<64x1000000xf32, #tpu.memory_space<hbm>> -> memref<8x512xf32, #tpu.memory_space<hbm>>
      tpu.enqueue_dma source(%dma_start3A_137 : memref<8x512xf32, #tpu.memory_space<hbm>>) target(%dma_start3A_135 : memref<8x512xf32, #tpu.memory_space<vmem_shared>>) target_semaphore(%arg19 : memref<!tpu.dma_semaphore, #tpu.memory_space<semaphore_mem>>)
    } else {
    }
    %convert_element_type3A_10 = arith.extui %ge3A_7 : i1 to i32
    %cond3A_11 = arith.constant 0 : i32
    %cond3A_12 = arith.cmpi ne, %convert_element_type3A_10, %cond3A_11 : i32
    scf.if %cond3A_12 {
      %dma_start3A = arith.constant 0 : i32
      %dma_start3A_42 = arith.constant 0 : i32
      %dma_start3A_43 = arith.constant 0 : i32
      %dma_start3A_44 = arith.constant 0 : i32
      %dma_start3A_45 = tpu.memref_slice %arg14[%arg1, %dma_start3A_42, %dma_start3A_43, %dma_start3A_44] : memref<16x2x64x512xf32, #tpu.memory_space<vmem_shared>> -> memref<1x2x64x512xf32, #tpu.memory_space<vmem_shared>>
      %dma_start3A_46 = tpu.memref_squeeze %dma_start3A_45 : memref<1x2x64x512xf32, #tpu.memory_space<vmem_shared>> -> memref<2x64x512xf32, #tpu.memory_space<vmem_shared>>
      %dma_start3A_47 = arith.constant 0 : i32
      %dma_start3A_48 = arith.constant 0 : i32
      %dma_start3A_49 = tpu.memref_slice %dma_start3A_46[%dma_start3A, %dma_start3A_47, %dma_start3A_48] : memref<2x64x512xf32, #tpu.memory_space<vmem_shared>> -> memref<1x64x512xf32, #tpu.memory_space<vmem_shared>>
      %dma_start3A_50 = tpu.memref_squeeze %dma_start3A_49 : memref<1x64x512xf32, #tpu.memory_space<vmem_shared>> -> memref<64x512xf32, #tpu.memory_space<vmem_shared>>
      tpu.enqueue_dma source(%arg6 : memref<64x512xf32, #tpu.memory_space<hbm>>) target(%dma_start3A_50 : memref<64x512xf32, #tpu.memory_space<vmem_shared>>) target_semaphore(%arg19 : memref<!tpu.dma_semaphore, #tpu.memory_space<semaphore_mem>>)
    } else {
    }
    %scan3A = arith.constant 0 : i32
    %scan3A_13 = arith.constant 0 : i32
    %scan3A_14 = arith.constant 62 : i32
    %scan3A_15 = arith.addi %scan3A_13, %scan3A_14 : i32
    %scan3A_16 = arith.constant 1 : i32
    %scan3A_17 = scf.for %scan3A_42 = %scan3A_13 to %scan3A_15 step %scan3A_16 iter_args(%scan3A_43 = %scan3A) -> (i32)  : i32 {
      %rem3A = arith.constant 2 : i32
      %rem3A_44 = arith.remsi %scan3A_42, %rem3A : i32
      %add3A_45 = arith.constant 1 : i32
      %add3A_46 = arith.addi %scan3A_42, %add3A_45 : i32
      %lt3A = arith.constant 62 : i32
      %lt3A_47 = arith.cmpi slt, %add3A_46, %lt3A : i32
      %convert_element_type3A_48 = arith.extui %lt3A_47 : i1 to i32
      %cond3A_49 = arith.constant 0 : i32
      %cond3A_50 = arith.cmpi ne, %convert_element_type3A_48, %cond3A_49 : i32
      scf.if %cond3A_50 {
        %eq3A_86 = arith.constant 0 : i32
        %eq3A_87 = arith.cmpi eq, %rem3A_44, %eq3A_86 : i32
        %convert_element_type3A_88 = arith.extui %eq3A_87 : i1 to i32
        %cond3A_89 = arith.constant 0 : i32
        %cond3A_90 = arith.cmpi ne, %convert_element_type3A_88, %cond3A_89 : i32
        scf.if %cond3A_90 {
          %add3A_96 = arith.constant 1 : i32
          %add3A_97 = arith.addi %scan3A_42, %add3A_96 : i32
          %mul3A_98 = arith.constant 62 : i32
          %mul3A_99 = arith.muli %add3A, %mul3A_98 : i32
          %add3A_100 = arith.addi %mul3A_99, %add3A_97 : i32
          %mul3A_101 = arith.constant 512 : i32
          %mul3A_102 = arith.muli %add3A_100, %mul3A_101 : i32
          %ge3A_103 = arith.constant 999936 : i32
          %ge3A_104 = arith.cmpi sge, %mul3A_102, %ge3A_103 : i32
          %not3A_105 = arith.constant true
          %not3A_106 = arith.xori %ge3A_104, %not3A_105 : i1
          %convert_element_type3A_107 = arith.extui %not3A_106 : i1 to i32
          %cond3A_108 = arith.constant 0 : i32
          %cond3A_109 = arith.cmpi ne, %convert_element_type3A_107, %cond3A_108 : i32
          scf.if %cond3A_109 {
            %min3A = arith.constant 999488 : i32
            %min3A_113 = arith.minsi %mul3A_102, %min3A : i32
            %multiple_of3A = tpu.assume_multiple %min3A_113, 128 : i32
            %dma_start3A = arith.constant 1 : i32
            %dma_start3A_114 = arith.constant 0 : i32
            %dma_start3A_115 = arith.constant 0 : i32
            %dma_start3A_116 = arith.constant 0 : i32
            %dma_start3A_117 = tpu.memref_slice %arg14[%arg1, %dma_start3A_114, %dma_start3A_115, %dma_start3A_116] : memref<16x2x64x512xf32, #tpu.memory_space<vmem_shared>> -> memref<1x2x64x512xf32, #tpu.memory_space<vmem_shared>>
            %dma_start3A_118 = tpu.memref_squeeze %dma_start3A_117 : memref<1x2x64x512xf32, #tpu.memory_space<vmem_shared>> -> memref<2x64x512xf32, #tpu.memory_space<vmem_shared>>
            %dma_start3A_119 = arith.constant 0 : i32
            %dma_start3A_120 = arith.constant 0 : i32
            %dma_start3A_121 = tpu.memref_slice %dma_start3A_118[%dma_start3A, %dma_start3A_119, %dma_start3A_120] : memref<2x64x512xf32, #tpu.memory_space<vmem_shared>> -> memref<1x8x512xf32, #tpu.memory_space<vmem_shared>>
            %dma_start3A_122 = tpu.memref_squeeze %dma_start3A_121 : memref<1x8x512xf32, #tpu.memory_space<vmem_shared>> -> memref<8x512xf32, #tpu.memory_space<vmem_shared>>
            %dma_start3A_123 = arith.constant 0 : i32
            %dma_start3A_124 = tpu.memref_slice %arg5[%dma_start3A_123, %multiple_of3A] : memref<64x1000000xf32, #tpu.memory_space<hbm>> -> memref<8x512xf32, #tpu.memory_space<hbm>>
            tpu.enqueue_dma source(%dma_start3A_124 : memref<8x512xf32, #tpu.memory_space<hbm>>) target(%dma_start3A_122 : memref<8x512xf32, #tpu.memory_space<vmem_shared>>) target_semaphore(%arg20 : memref<!tpu.dma_semaphore, #tpu.memory_space<semaphore_mem>>)
            %dma_start3A_125 = arith.constant 1 : i32
            %dma_start3A_126 = arith.constant 0 : i32
            %dma_start3A_127 = arith.constant 0 : i32
            %dma_start3A_128 = arith.constant 0 : i32
            %dma_start3A_129 = tpu.memref_slice %arg14[%arg1, %dma_start3A_126, %dma_start3A_127, %dma_start3A_128] : memref<16x2x64x512xf32, #tpu.memory_space<vmem_shared>> -> memref<1x2x64x512xf32, #tpu.memory_space<vmem_shared>>
            %dma_start3A_130 = tpu.memref_squeeze %dma_start3A_129 : memref<1x2x64x512xf32, #tpu.memory_space<vmem_shared>> -> memref<2x64x512xf32, #tpu.memory_space<vmem_shared>>
            %dma_start3A_131 = arith.constant 8 : i32
            %dma_start3A_132 = arith.constant 0 : i32
            %dma_start3A_133 = tpu.memref_slice %dma_start3A_130[%dma_start3A_125, %dma_start3A_131, %dma_start3A_132] : memref<2x64x512xf32, #tpu.memory_space<vmem_shared>> -> memref<1x8x512xf32, #tpu.memory_space<vmem_shared>>
            %dma_start3A_134 = tpu.memref_squeeze %dma_start3A_133 : memref<1x8x512xf32, #tpu.memory_space<vmem_shared>> -> memref<8x512xf32, #tpu.memory_space<vmem_shared>>
            %dma_start3A_135 = arith.constant 8 : i32
            %dma_start3A_136 = tpu.memref_slice %arg5[%dma_start3A_135, %multiple_of3A] : memref<64x1000000xf32, #tpu.memory_space<hbm>> -> memref<8x512xf32, #tpu.memory_space<hbm>>
            tpu.enqueue_dma source(%dma_start3A_136 : memref<8x512xf32, #tpu.memory_space<hbm>>) target(%dma_start3A_134 : memref<8x512xf32, #tpu.memory_space<vmem_shared>>) target_semaphore(%arg20 : memref<!tpu.dma_semaphore, #tpu.memory_space<semaphore_mem>>)
            %dma_start3A_137 = arith.constant 1 : i32
            %dma_start3A_138 = arith.constant 0 : i32
            %dma_start3A_139 = arith.constant 0 : i32
            %dma_start3A_140 = arith.constant 0 : i32
            %dma_start3A_141 = tpu.memref_slice %arg14[%arg1, %dma_start3A_138, %dma_start3A_139, %dma_start3A_140] : memref<16x2x64x512xf32, #tpu.memory_space<vmem_shared>> -> memref<1x2x64x512xf32, #tpu.memory_space<vmem_shared>>
            %dma_start3A_142 = tpu.memref_squeeze %dma_start3A_141 : memref<1x2x64x512xf32, #tpu.memory_space<vmem_shared>> -> memref<2x64x512xf32, #tpu.memory_space<vmem_shared>>
            %dma_start3A_143 = arith.constant 16 : i32
            %dma_start3A_144 = arith.constant 0 : i32
            %dma_start3A_145 = tpu.memref_slice %dma_start3A_142[%dma_start3A_137, %dma_start3A_143, %dma_start3A_144] : memref<2x64x512xf32, #tpu.memory_space<vmem_shared>> -> memref<1x8x512xf32, #tpu.memory_space<vmem_shared>>
            %dma_start3A_146 = tpu.memref_squeeze %dma_start3A_145 : memref<1x8x512xf32, #tpu.memory_space<vmem_shared>> -> memref<8x512xf32, #tpu.memory_space<vmem_shared>>
            %dma_start3A_147 = arith.constant 16 : i32
            %dma_start3A_148 = tpu.memref_slice %arg5[%dma_start3A_147, %multiple_of3A] : memref<64x1000000xf32, #tpu.memory_space<hbm>> -> memref<8x512xf32, #tpu.memory_space<hbm>>
            tpu.enqueue_dma source(%dma_start3A_148 : memref<8x512xf32, #tpu.memory_space<hbm>>) target(%dma_start3A_146 : memref<8x512xf32, #tpu.memory_space<vmem_shared>>) target_semaphore(%arg20 : memref<!tpu.dma_semaphore, #tpu.memory_space<semaphore_mem>>)
            %dma_start3A_149 = arith.constant 1 : i32
            %dma_start3A_150 = arith.constant 0 : i32
            %dma_start3A_151 = arith.constant 0 : i32
            %dma_start3A_152 = arith.constant 0 : i32
            %dma_start3A_153 = tpu.memref_slice %arg14[%arg1, %dma_start3A_150, %dma_start3A_151, %dma_start3A_152] : memref<16x2x64x512xf32, #tpu.memory_space<vmem_shared>> -> memref<1x2x64x512xf32, #tpu.memory_space<vmem_shared>>
            %dma_start3A_154 = tpu.memref_squeeze %dma_start3A_153 : memref<1x2x64x512xf32, #tpu.memory_space<vmem_shared>> -> memref<2x64x512xf32, #tpu.memory_space<vmem_shared>>
            %dma_start3A_155 = arith.constant 24 : i32
            %dma_start3A_156 = arith.constant 0 : i32
            %dma_start3A_157 = tpu.memref_slice %dma_start3A_154[%dma_start3A_149, %dma_start3A_155, %dma_start3A_156] : memref<2x64x512xf32, #tpu.memory_space<vmem_shared>> -> memref<1x8x512xf32, #tpu.memory_space<vmem_shared>>
            %dma_start3A_158 = tpu.memref_squeeze %dma_start3A_157 : memref<1x8x512xf32, #tpu.memory_space<vmem_shared>> -> memref<8x512xf32, #tpu.memory_space<vmem_shared>>
            %dma_start3A_159 = arith.constant 24 : i32
            %dma_start3A_160 = tpu.memref_slice %arg5[%dma_start3A_159, %multiple_of3A] : memref<64x1000000xf32, #tpu.memory_space<hbm>> -> memref<8x512xf32, #tpu.memory_space<hbm>>
            tpu.enqueue_dma source(%dma_start3A_160 : memref<8x512xf32, #tpu.memory_space<hbm>>) target(%dma_start3A_158 : memref<8x512xf32, #tpu.memory_space<vmem_shared>>) target_semaphore(%arg20 : memref<!tpu.dma_semaphore, #tpu.memory_space<semaphore_mem>>)
            %dma_start3A_161 = arith.constant 1 : i32
            %dma_start3A_162 = arith.constant 0 : i32
            %dma_start3A_163 = arith.constant 0 : i32
            %dma_start3A_164 = arith.constant 0 : i32
            %dma_start3A_165 = tpu.memref_slice %arg14[%arg1, %dma_start3A_162, %dma_start3A_163, %dma_start3A_164] : memref<16x2x64x512xf32, #tpu.memory_space<vmem_shared>> -> memref<1x2x64x512xf32, #tpu.memory_space<vmem_shared>>
            %dma_start3A_166 = tpu.memref_squeeze %dma_start3A_165 : memref<1x2x64x512xf32, #tpu.memory_space<vmem_shared>> -> memref<2x64x512xf32, #tpu.memory_space<vmem_shared>>
            %dma_start3A_167 = arith.constant 32 : i32
            %dma_start3A_168 = arith.constant 0 : i32
            %dma_start3A_169 = tpu.memref_slice %dma_start3A_166[%dma_start3A_161, %dma_start3A_167, %dma_start3A_168] : memref<2x64x512xf32, #tpu.memory_space<vmem_shared>> -> memref<1x8x512xf32, #tpu.memory_space<vmem_shared>>
            %dma_start3A_170 = tpu.memref_squeeze %dma_start3A_169 : memref<1x8x512xf32, #tpu.memory_space<vmem_shared>> -> memref<8x512xf32, #tpu.memory_space<vmem_shared>>
            %dma_start3A_171 = arith.constant 32 : i32
            %dma_start3A_172 = tpu.memref_slice %arg5[%dma_start3A_171, %multiple_of3A] : memref<64x1000000xf32, #tpu.memory_space<hbm>> -> memref<8x512xf32, #tpu.memory_space<hbm>>
            tpu.enqueue_dma source(%dma_start3A_172 : memref<8x512xf32, #tpu.memory_space<hbm>>) target(%dma_start3A_170 : memref<8x512xf32, #tpu.memory_space<vmem_shared>>) target_semaphore(%arg20 : memref<!tpu.dma_semaphore, #tpu.memory_space<semaphore_mem>>)
            %dma_start3A_173 = arith.constant 1 : i32
            %dma_start3A_174 = arith.constant 0 : i32
            %dma_start3A_175 = arith.constant 0 : i32
            %dma_start3A_176 = arith.constant 0 : i32
            %dma_start3A_177 = tpu.memref_slice %arg14[%arg1, %dma_start3A_174, %dma_start3A_175, %dma_start3A_176] : memref<16x2x64x512xf32, #tpu.memory_space<vmem_shared>> -> memref<1x2x64x512xf32, #tpu.memory_space<vmem_shared>>
            %dma_start3A_178 = tpu.memref_squeeze %dma_start3A_177 : memref<1x2x64x512xf32, #tpu.memory_space<vmem_shared>> -> memref<2x64x512xf32, #tpu.memory_space<vmem_shared>>
            %dma_start3A_179 = arith.constant 40 : i32
            %dma_start3A_180 = arith.constant 0 : i32
            %dma_start3A_181 = tpu.memref_slice %dma_start3A_178[%dma_start3A_173, %dma_start3A_179, %dma_start3A_180] : memref<2x64x512xf32, #tpu.memory_space<vmem_shared>> -> memref<1x8x512xf32, #tpu.memory_space<vmem_shared>>
            %dma_start3A_182 = tpu.memref_squeeze %dma_start3A_181 : memref<1x8x512xf32, #tpu.memory_space<vmem_shared>> -> memref<8x512xf32, #tpu.memory_space<vmem_shared>>
            %dma_start3A_183 = arith.constant 40 : i32
            %dma_start3A_184 = tpu.memref_slice %arg5[%dma_start3A_183, %multiple_of3A] : memref<64x1000000xf32, #tpu.memory_space<hbm>> -> memref<8x512xf32, #tpu.memory_space<hbm>>
            tpu.enqueue_dma source(%dma_start3A_184 : memref<8x512xf32, #tpu.memory_space<hbm>>) target(%dma_start3A_182 : memref<8x512xf32, #tpu.memory_space<vmem_shared>>) target_semaphore(%arg20 : memref<!tpu.dma_semaphore, #tpu.memory_space<semaphore_mem>>)
            %dma_start3A_185 = arith.constant 1 : i32
            %dma_start3A_186 = arith.constant 0 : i32
            %dma_start3A_187 = arith.constant 0 : i32
            %dma_start3A_188 = arith.constant 0 : i32
            %dma_start3A_189 = tpu.memref_slice %arg14[%arg1, %dma_start3A_186, %dma_start3A_187, %dma_start3A_188] : memref<16x2x64x512xf32, #tpu.memory_space<vmem_shared>> -> memref<1x2x64x512xf32, #tpu.memory_space<vmem_shared>>
            %dma_start3A_190 = tpu.memref_squeeze %dma_start3A_189 : memref<1x2x64x512xf32, #tpu.memory_space<vmem_shared>> -> memref<2x64x512xf32, #tpu.memory_space<vmem_shared>>
            %dma_start3A_191 = arith.constant 48 : i32
            %dma_start3A_192 = arith.constant 0 : i32
            %dma_start3A_193 = tpu.memref_slice %dma_start3A_190[%dma_start3A_185, %dma_start3A_191, %dma_start3A_192] : memref<2x64x512xf32, #tpu.memory_space<vmem_shared>> -> memref<1x8x512xf32, #tpu.memory_space<vmem_shared>>
            %dma_start3A_194 = tpu.memref_squeeze %dma_start3A_193 : memref<1x8x512xf32, #tpu.memory_space<vmem_shared>> -> memref<8x512xf32, #tpu.memory_space<vmem_shared>>
            %dma_start3A_195 = arith.constant 48 : i32
            %dma_start3A_196 = tpu.memref_slice %arg5[%dma_start3A_195, %multiple_of3A] : memref<64x1000000xf32, #tpu.memory_space<hbm>> -> memref<8x512xf32, #tpu.memory_space<hbm>>
            tpu.enqueue_dma source(%dma_start3A_196 : memref<8x512xf32, #tpu.memory_space<hbm>>) target(%dma_start3A_194 : memref<8x512xf32, #tpu.memory_space<vmem_shared>>) target_semaphore(%arg20 : memref<!tpu.dma_semaphore, #tpu.memory_space<semaphore_mem>>)
            %dma_start3A_197 = arith.constant 1 : i32
            %dma_start3A_198 = arith.constant 0 : i32
            %dma_start3A_199 = arith.constant 0 : i32
            %dma_start3A_200 = arith.constant 0 : i32
            %dma_start3A_201 = tpu.memref_slice %arg14[%arg1, %dma_start3A_198, %dma_start3A_199, %dma_start3A_200] : memref<16x2x64x512xf32, #tpu.memory_space<vmem_shared>> -> memref<1x2x64x512xf32, #tpu.memory_space<vmem_shared>>
            %dma_start3A_202 = tpu.memref_squeeze %dma_start3A_201 : memref<1x2x64x512xf32, #tpu.memory_space<vmem_shared>> -> memref<2x64x512xf32, #tpu.memory_space<vmem_shared>>
            %dma_start3A_203 = arith.constant 56 : i32
            %dma_start3A_204 = arith.constant 0 : i32
            %dma_start3A_205 = tpu.memref_slice %dma_start3A_202[%dma_start3A_197, %dma_start3A_203, %dma_start3A_204] : memref<2x64x512xf32, #tpu.memory_space<vmem_shared>> -> memref<1x8x512xf32, #tpu.memory_space<vmem_shared>>
            %dma_start3A_206 = tpu.memref_squeeze %dma_start3A_205 : memref<1x8x512xf32, #tpu.memory_space<vmem_shared>> -> memref<8x512xf32, #tpu.memory_space<vmem_shared>>
            %dma_start3A_207 = arith.constant 56 : i32
            %dma_start3A_208 = tpu.memref_slice %arg5[%dma_start3A_207, %multiple_of3A] : memref<64x1000000xf32, #tpu.memory_space<hbm>> -> memref<8x512xf32, #tpu.memory_space<hbm>>
            tpu.enqueue_dma source(%dma_start3A_208 : memref<8x512xf32, #tpu.memory_space<hbm>>) target(%dma_start3A_206 : memref<8x512xf32, #tpu.memory_space<vmem_shared>>) target_semaphore(%arg20 : memref<!tpu.dma_semaphore, #tpu.memory_space<semaphore_mem>>)
          } else {
          }
          %convert_element_type3A_110 = arith.extui %ge3A_104 : i1 to i32
          %cond3A_111 = arith.constant 0 : i32
          %cond3A_112 = arith.cmpi ne, %convert_element_type3A_110, %cond3A_111 : i32
          scf.if %cond3A_112 {
            %dma_start3A = arith.constant 1 : i32
            %dma_start3A_113 = arith.constant 0 : i32
            %dma_start3A_114 = arith.constant 0 : i32
            %dma_start3A_115 = arith.constant 0 : i32
            %dma_start3A_116 = tpu.memref_slice %arg14[%arg1, %dma_start3A_113, %dma_start3A_114, %dma_start3A_115] : memref<16x2x64x512xf32, #tpu.memory_space<vmem_shared>> -> memref<1x2x64x512xf32, #tpu.memory_space<vmem_shared>>
            %dma_start3A_117 = tpu.memref_squeeze %dma_start3A_116 : memref<1x2x64x512xf32, #tpu.memory_space<vmem_shared>> -> memref<2x64x512xf32, #tpu.memory_space<vmem_shared>>
            %dma_start3A_118 = arith.constant 0 : i32
            %dma_start3A_119 = arith.constant 0 : i32
            %dma_start3A_120 = tpu.memref_slice %dma_start3A_117[%dma_start3A, %dma_start3A_118, %dma_start3A_119] : memref<2x64x512xf32, #tpu.memory_space<vmem_shared>> -> memref<1x64x512xf32, #tpu.memory_space<vmem_shared>>
            %dma_start3A_121 = tpu.memref_squeeze %dma_start3A_120 : memref<1x64x512xf32, #tpu.memory_space<vmem_shared>> -> memref<64x512xf32, #tpu.memory_space<vmem_shared>>
            tpu.enqueue_dma source(%arg6 : memref<64x512xf32, #tpu.memory_space<hbm>>) target(%dma_start3A_121 : memref<64x512xf32, #tpu.memory_space<vmem_shared>>) target_semaphore(%arg20 : memref<!tpu.dma_semaphore, #tpu.memory_space<semaphore_mem>>)
          } else {
          }
        } else {
        }
        %eq3A_91 = arith.constant 1 : i32
        %eq3A_92 = arith.cmpi eq, %rem3A_44, %eq3A_91 : i32
        %convert_element_type3A_93 = arith.extui %eq3A_92 : i1 to i32
        %cond3A_94 = arith.constant 0 : i32
        %cond3A_95 = arith.cmpi ne, %convert_element_type3A_93, %cond3A_94 : i32
        scf.if %cond3A_95 {
          %add3A_96 = arith.constant 1 : i32
          %add3A_97 = arith.addi %scan3A_42, %add3A_96 : i32
          %mul3A_98 = arith.constant 62 : i32
          %mul3A_99 = arith.muli %add3A, %mul3A_98 : i32
          %add3A_100 = arith.addi %mul3A_99, %add3A_97 : i32
          %mul3A_101 = arith.constant 512 : i32
          %mul3A_102 = arith.muli %add3A_100, %mul3A_101 : i32
          %ge3A_103 = arith.constant 999936 : i32
          %ge3A_104 = arith.cmpi sge, %mul3A_102, %ge3A_103 : i32
          %not3A_105 = arith.constant true
          %not3A_106 = arith.xori %ge3A_104, %not3A_105 : i1
          %convert_element_type3A_107 = arith.extui %not3A_106 : i1 to i32
          %cond3A_108 = arith.constant 0 : i32
          %cond3A_109 = arith.cmpi ne, %convert_element_type3A_107, %cond3A_108 : i32
          scf.if %cond3A_109 {
            %min3A = arith.constant 999488 : i32
            %min3A_113 = arith.minsi %mul3A_102, %min3A : i32
            %multiple_of3A = tpu.assume_multiple %min3A_113, 128 : i32
            %dma_start3A = arith.constant 0 : i32
            %dma_start3A_114 = arith.constant 0 : i32
            %dma_start3A_115 = arith.constant 0 : i32
            %dma_start3A_116 = arith.constant 0 : i32
            %dma_start3A_117 = tpu.memref_slice %arg14[%arg1, %dma_start3A_114, %dma_start3A_115, %dma_start3A_116] : memref<16x2x64x512xf32, #tpu.memory_space<vmem_shared>> -> memref<1x2x64x512xf32, #tpu.memory_space<vmem_shared>>
            %dma_start3A_118 = tpu.memref_squeeze %dma_start3A_117 : memref<1x2x64x512xf32, #tpu.memory_space<vmem_shared>> -> memref<2x64x512xf32, #tpu.memory_space<vmem_shared>>
            %dma_start3A_119 = arith.constant 0 : i32
            %dma_start3A_120 = arith.constant 0 : i32
            %dma_start3A_121 = tpu.memref_slice %dma_start3A_118[%dma_start3A, %dma_start3A_119, %dma_start3A_120] : memref<2x64x512xf32, #tpu.memory_space<vmem_shared>> -> memref<1x8x512xf32, #tpu.memory_space<vmem_shared>>
            %dma_start3A_122 = tpu.memref_squeeze %dma_start3A_121 : memref<1x8x512xf32, #tpu.memory_space<vmem_shared>> -> memref<8x512xf32, #tpu.memory_space<vmem_shared>>
            %dma_start3A_123 = arith.constant 0 : i32
            %dma_start3A_124 = tpu.memref_slice %arg5[%dma_start3A_123, %multiple_of3A] : memref<64x1000000xf32, #tpu.memory_space<hbm>> -> memref<8x512xf32, #tpu.memory_space<hbm>>
            tpu.enqueue_dma source(%dma_start3A_124 : memref<8x512xf32, #tpu.memory_space<hbm>>) target(%dma_start3A_122 : memref<8x512xf32, #tpu.memory_space<vmem_shared>>) target_semaphore(%arg19 : memref<!tpu.dma_semaphore, #tpu.memory_space<semaphore_mem>>)
            %dma_start3A_125 = arith.constant 0 : i32
            %dma_start3A_126 = arith.constant 0 : i32
            %dma_start3A_127 = arith.constant 0 : i32
            %dma_start3A_128 = arith.constant 0 : i32
            %dma_start3A_129 = tpu.memref_slice %arg14[%arg1, %dma_start3A_126, %dma_start3A_127, %dma_start3A_128] : memref<16x2x64x512xf32, #tpu.memory_space<vmem_shared>> -> memref<1x2x64x512xf32, #tpu.memory_space<vmem_shared>>
            %dma_start3A_130 = tpu.memref_squeeze %dma_start3A_129 : memref<1x2x64x512xf32, #tpu.memory_space<vmem_shared>> -> memref<2x64x512xf32, #tpu.memory_space<vmem_shared>>
            %dma_start3A_131 = arith.constant 8 : i32
            %dma_start3A_132 = arith.constant 0 : i32
            %dma_start3A_133 = tpu.memref_slice %dma_start3A_130[%dma_start3A_125, %dma_start3A_131, %dma_start3A_132] : memref<2x64x512xf32, #tpu.memory_space<vmem_shared>> -> memref<1x8x512xf32, #tpu.memory_space<vmem_shared>>
            %dma_start3A_134 = tpu.memref_squeeze %dma_start3A_133 : memref<1x8x512xf32, #tpu.memory_space<vmem_shared>> -> memref<8x512xf32, #tpu.memory_space<vmem_shared>>
            %dma_start3A_135 = arith.constant 8 : i32
            %dma_start3A_136 = tpu.memref_slice %arg5[%dma_start3A_135, %multiple_of3A] : memref<64x1000000xf32, #tpu.memory_space<hbm>> -> memref<8x512xf32, #tpu.memory_space<hbm>>
            tpu.enqueue_dma source(%dma_start3A_136 : memref<8x512xf32, #tpu.memory_space<hbm>>) target(%dma_start3A_134 : memref<8x512xf32, #tpu.memory_space<vmem_shared>>) target_semaphore(%arg19 : memref<!tpu.dma_semaphore, #tpu.memory_space<semaphore_mem>>)
            %dma_start3A_137 = arith.constant 0 : i32
            %dma_start3A_138 = arith.constant 0 : i32
            %dma_start3A_139 = arith.constant 0 : i32
            %dma_start3A_140 = arith.constant 0 : i32
            %dma_start3A_141 = tpu.memref_slice %arg14[%arg1, %dma_start3A_138, %dma_start3A_139, %dma_start3A_140] : memref<16x2x64x512xf32, #tpu.memory_space<vmem_shared>> -> memref<1x2x64x512xf32, #tpu.memory_space<vmem_shared>>
            %dma_start3A_142 = tpu.memref_squeeze %dma_start3A_141 : memref<1x2x64x512xf32, #tpu.memory_space<vmem_shared>> -> memref<2x64x512xf32, #tpu.memory_space<vmem_shared>>
            %dma_start3A_143 = arith.constant 16 : i32
            %dma_start3A_144 = arith.constant 0 : i32
            %dma_start3A_145 = tpu.memref_slice %dma_start3A_142[%dma_start3A_137, %dma_start3A_143, %dma_start3A_144] : memref<2x64x512xf32, #tpu.memory_space<vmem_shared>> -> memref<1x8x512xf32, #tpu.memory_space<vmem_shared>>
            %dma_start3A_146 = tpu.memref_squeeze %dma_start3A_145 : memref<1x8x512xf32, #tpu.memory_space<vmem_shared>> -> memref<8x512xf32, #tpu.memory_space<vmem_shared>>
            %dma_start3A_147 = arith.constant 16 : i32
            %dma_start3A_148 = tpu.memref_slice %arg5[%dma_start3A_147, %multiple_of3A] : memref<64x1000000xf32, #tpu.memory_space<hbm>> -> memref<8x512xf32, #tpu.memory_space<hbm>>
            tpu.enqueue_dma source(%dma_start3A_148 : memref<8x512xf32, #tpu.memory_space<hbm>>) target(%dma_start3A_146 : memref<8x512xf32, #tpu.memory_space<vmem_shared>>) target_semaphore(%arg19 : memref<!tpu.dma_semaphore, #tpu.memory_space<semaphore_mem>>)
            %dma_start3A_149 = arith.constant 0 : i32
            %dma_start3A_150 = arith.constant 0 : i32
            %dma_start3A_151 = arith.constant 0 : i32
            %dma_start3A_152 = arith.constant 0 : i32
            %dma_start3A_153 = tpu.memref_slice %arg14[%arg1, %dma_start3A_150, %dma_start3A_151, %dma_start3A_152] : memref<16x2x64x512xf32, #tpu.memory_space<vmem_shared>> -> memref<1x2x64x512xf32, #tpu.memory_space<vmem_shared>>
            %dma_start3A_154 = tpu.memref_squeeze %dma_start3A_153 : memref<1x2x64x512xf32, #tpu.memory_space<vmem_shared>> -> memref<2x64x512xf32, #tpu.memory_space<vmem_shared>>
            %dma_start3A_155 = arith.constant 24 : i32
            %dma_start3A_156 = arith.constant 0 : i32
            %dma_start3A_157 = tpu.memref_slice %dma_start3A_154[%dma_start3A_149, %dma_start3A_155, %dma_start3A_156] : memref<2x64x512xf32, #tpu.memory_space<vmem_shared>> -> memref<1x8x512xf32, #tpu.memory_space<vmem_shared>>
            %dma_start3A_158 = tpu.memref_squeeze %dma_start3A_157 : memref<1x8x512xf32, #tpu.memory_space<vmem_shared>> -> memref<8x512xf32, #tpu.memory_space<vmem_shared>>
            %dma_start3A_159 = arith.constant 24 : i32
            %dma_start3A_160 = tpu.memref_slice %arg5[%dma_start3A_159, %multiple_of3A] : memref<64x1000000xf32, #tpu.memory_space<hbm>> -> memref<8x512xf32, #tpu.memory_space<hbm>>
            tpu.enqueue_dma source(%dma_start3A_160 : memref<8x512xf32, #tpu.memory_space<hbm>>) target(%dma_start3A_158 : memref<8x512xf32, #tpu.memory_space<vmem_shared>>) target_semaphore(%arg19 : memref<!tpu.dma_semaphore, #tpu.memory_space<semaphore_mem>>)
            %dma_start3A_161 = arith.constant 0 : i32
            %dma_start3A_162 = arith.constant 0 : i32
            %dma_start3A_163 = arith.constant 0 : i32
            %dma_start3A_164 = arith.constant 0 : i32
            %dma_start3A_165 = tpu.memref_slice %arg14[%arg1, %dma_start3A_162, %dma_start3A_163, %dma_start3A_164] : memref<16x2x64x512xf32, #tpu.memory_space<vmem_shared>> -> memref<1x2x64x512xf32, #tpu.memory_space<vmem_shared>>
            %dma_start3A_166 = tpu.memref_squeeze %dma_start3A_165 : memref<1x2x64x512xf32, #tpu.memory_space<vmem_shared>> -> memref<2x64x512xf32, #tpu.memory_space<vmem_shared>>
            %dma_start3A_167 = arith.constant 32 : i32
            %dma_start3A_168 = arith.constant 0 : i32
            %dma_start3A_169 = tpu.memref_slice %dma_start3A_166[%dma_start3A_161, %dma_start3A_167, %dma_start3A_168] : memref<2x64x512xf32, #tpu.memory_space<vmem_shared>> -> memref<1x8x512xf32, #tpu.memory_space<vmem_shared>>
            %dma_start3A_170 = tpu.memref_squeeze %dma_start3A_169 : memref<1x8x512xf32, #tpu.memory_space<vmem_shared>> -> memref<8x512xf32, #tpu.memory_space<vmem_shared>>
            %dma_start3A_171 = arith.constant 32 : i32
            %dma_start3A_172 = tpu.memref_slice %arg5[%dma_start3A_171, %multiple_of3A] : memref<64x1000000xf32, #tpu.memory_space<hbm>> -> memref<8x512xf32, #tpu.memory_space<hbm>>
            tpu.enqueue_dma source(%dma_start3A_172 : memref<8x512xf32, #tpu.memory_space<hbm>>) target(%dma_start3A_170 : memref<8x512xf32, #tpu.memory_space<vmem_shared>>) target_semaphore(%arg19 : memref<!tpu.dma_semaphore, #tpu.memory_space<semaphore_mem>>)
            %dma_start3A_173 = arith.constant 0 : i32
            %dma_start3A_174 = arith.constant 0 : i32
            %dma_start3A_175 = arith.constant 0 : i32
            %dma_start3A_176 = arith.constant 0 : i32
            %dma_start3A_177 = tpu.memref_slice %arg14[%arg1, %dma_start3A_174, %dma_start3A_175, %dma_start3A_176] : memref<16x2x64x512xf32, #tpu.memory_space<vmem_shared>> -> memref<1x2x64x512xf32, #tpu.memory_space<vmem_shared>>
            %dma_start3A_178 = tpu.memref_squeeze %dma_start3A_177 : memref<1x2x64x512xf32, #tpu.memory_space<vmem_shared>> -> memref<2x64x512xf32, #tpu.memory_space<vmem_shared>>
            %dma_start3A_179 = arith.constant 40 : i32
            %dma_start3A_180 = arith.constant 0 : i32
            %dma_start3A_181 = tpu.memref_slice %dma_start3A_178[%dma_start3A_173, %dma_start3A_179, %dma_start3A_180] : memref<2x64x512xf32, #tpu.memory_space<vmem_shared>> -> memref<1x8x512xf32, #tpu.memory_space<vmem_shared>>
            %dma_start3A_182 = tpu.memref_squeeze %dma_start3A_181 : memref<1x8x512xf32, #tpu.memory_space<vmem_shared>> -> memref<8x512xf32, #tpu.memory_space<vmem_shared>>
            %dma_start3A_183 = arith.constant 40 : i32
            %dma_start3A_184 = tpu.memref_slice %arg5[%dma_start3A_183, %multiple_of3A] : memref<64x1000000xf32, #tpu.memory_space<hbm>> -> memref<8x512xf32, #tpu.memory_space<hbm>>
            tpu.enqueue_dma source(%dma_start3A_184 : memref<8x512xf32, #tpu.memory_space<hbm>>) target(%dma_start3A_182 : memref<8x512xf32, #tpu.memory_space<vmem_shared>>) target_semaphore(%arg19 : memref<!tpu.dma_semaphore, #tpu.memory_space<semaphore_mem>>)
            %dma_start3A_185 = arith.constant 0 : i32
            %dma_start3A_186 = arith.constant 0 : i32
            %dma_start3A_187 = arith.constant 0 : i32
            %dma_start3A_188 = arith.constant 0 : i32
            %dma_start3A_189 = tpu.memref_slice %arg14[%arg1, %dma_start3A_186, %dma_start3A_187, %dma_start3A_188] : memref<16x2x64x512xf32, #tpu.memory_space<vmem_shared>> -> memref<1x2x64x512xf32, #tpu.memory_space<vmem_shared>>
            %dma_start3A_190 = tpu.memref_squeeze %dma_start3A_189 : memref<1x2x64x512xf32, #tpu.memory_space<vmem_shared>> -> memref<2x64x512xf32, #tpu.memory_space<vmem_shared>>
            %dma_start3A_191 = arith.constant 48 : i32
            %dma_start3A_192 = arith.constant 0 : i32
            %dma_start3A_193 = tpu.memref_slice %dma_start3A_190[%dma_start3A_185, %dma_start3A_191, %dma_start3A_192] : memref<2x64x512xf32, #tpu.memory_space<vmem_shared>> -> memref<1x8x512xf32, #tpu.memory_space<vmem_shared>>
            %dma_start3A_194 = tpu.memref_squeeze %dma_start3A_193 : memref<1x8x512xf32, #tpu.memory_space<vmem_shared>> -> memref<8x512xf32, #tpu.memory_space<vmem_shared>>
            %dma_start3A_195 = arith.constant 48 : i32
            %dma_start3A_196 = tpu.memref_slice %arg5[%dma_start3A_195, %multiple_of3A] : memref<64x1000000xf32, #tpu.memory_space<hbm>> -> memref<8x512xf32, #tpu.memory_space<hbm>>
            tpu.enqueue_dma source(%dma_start3A_196 : memref<8x512xf32, #tpu.memory_space<hbm>>) target(%dma_start3A_194 : memref<8x512xf32, #tpu.memory_space<vmem_shared>>) target_semaphore(%arg19 : memref<!tpu.dma_semaphore, #tpu.memory_space<semaphore_mem>>)
            %dma_start3A_197 = arith.constant 0 : i32
            %dma_start3A_198 = arith.constant 0 : i32
            %dma_start3A_199 = arith.constant 0 : i32
            %dma_start3A_200 = arith.constant 0 : i32
            %dma_start3A_201 = tpu.memref_slice %arg14[%arg1, %dma_start3A_198, %dma_start3A_199, %dma_start3A_200] : memref<16x2x64x512xf32, #tpu.memory_space<vmem_shared>> -> memref<1x2x64x512xf32, #tpu.memory_space<vmem_shared>>
            %dma_start3A_202 = tpu.memref_squeeze %dma_start3A_201 : memref<1x2x64x512xf32, #tpu.memory_space<vmem_shared>> -> memref<2x64x512xf32, #tpu.memory_space<vmem_shared>>
            %dma_start3A_203 = arith.constant 56 : i32
            %dma_start3A_204 = arith.constant 0 : i32
            %dma_start3A_205 = tpu.memref_slice %dma_start3A_202[%dma_start3A_197, %dma_start3A_203, %dma_start3A_204] : memref<2x64x512xf32, #tpu.memory_space<vmem_shared>> -> memref<1x8x512xf32, #tpu.memory_space<vmem_shared>>
            %dma_start3A_206 = tpu.memref_squeeze %dma_start3A_205 : memref<1x8x512xf32, #tpu.memory_space<vmem_shared>> -> memref<8x512xf32, #tpu.memory_space<vmem_shared>>
            %dma_start3A_207 = arith.constant 56 : i32
            %dma_start3A_208 = tpu.memref_slice %arg5[%dma_start3A_207, %multiple_of3A] : memref<64x1000000xf32, #tpu.memory_space<hbm>> -> memref<8x512xf32, #tpu.memory_space<hbm>>
            tpu.enqueue_dma source(%dma_start3A_208 : memref<8x512xf32, #tpu.memory_space<hbm>>) target(%dma_start3A_206 : memref<8x512xf32, #tpu.memory_space<vmem_shared>>) target_semaphore(%arg19 : memref<!tpu.dma_semaphore, #tpu.memory_space<semaphore_mem>>)
          } else {
          }
          %convert_element_type3A_110 = arith.extui %ge3A_104 : i1 to i32
          %cond3A_111 = arith.constant 0 : i32
          %cond3A_112 = arith.cmpi ne, %convert_element_type3A_110, %cond3A_111 : i32
          scf.if %cond3A_112 {
            %dma_start3A = arith.constant 0 : i32
            %dma_start3A_113 = arith.constant 0 : i32
            %dma_start3A_114 = arith.constant 0 : i32
            %dma_start3A_115 = arith.constant 0 : i32
            %dma_start3A_116 = tpu.memref_slice %arg14[%arg1, %dma_start3A_113, %dma_start3A_114, %dma_start3A_115] : memref<16x2x64x512xf32, #tpu.memory_space<vmem_shared>> -> memref<1x2x64x512xf32, #tpu.memory_space<vmem_shared>>
            %dma_start3A_117 = tpu.memref_squeeze %dma_start3A_116 : memref<1x2x64x512xf32, #tpu.memory_space<vmem_shared>> -> memref<2x64x512xf32, #tpu.memory_space<vmem_shared>>
            %dma_start3A_118 = arith.constant 0 : i32
            %dma_start3A_119 = arith.constant 0 : i32
            %dma_start3A_120 = tpu.memref_slice %dma_start3A_117[%dma_start3A, %dma_start3A_118, %dma_start3A_119] : memref<2x64x512xf32, #tpu.memory_space<vmem_shared>> -> memref<1x64x512xf32, #tpu.memory_space<vmem_shared>>
            %dma_start3A_121 = tpu.memref_squeeze %dma_start3A_120 : memref<1x64x512xf32, #tpu.memory_space<vmem_shared>> -> memref<64x512xf32, #tpu.memory_space<vmem_shared>>
            tpu.enqueue_dma source(%arg6 : memref<64x512xf32, #tpu.memory_space<hbm>>) target(%dma_start3A_121 : memref<64x512xf32, #tpu.memory_space<vmem_shared>>) target_semaphore(%arg19 : memref<!tpu.dma_semaphore, #tpu.memory_space<semaphore_mem>>)
          } else {
          }
        } else {
        }
      } else {
      }
      %eq3A = arith.constant 0 : i32
      %eq3A_51 = arith.cmpi eq, %rem3A_44, %eq3A : i32
      %convert_element_type3A_52 = arith.extui %eq3A_51 : i1 to i32
      %cond3A_53 = arith.constant 0 : i32
      %cond3A_54 = arith.cmpi ne, %convert_element_type3A_52, %cond3A_53 : i32
      scf.if %cond3A_54 {
        %dma_wait3A = arith.constant 0 : i32
        %dma_wait3A_86 = arith.constant 0 : i32
        %dma_wait3A_87 = arith.constant 0 : i32
        %dma_wait3A_88 = arith.constant 0 : i32
        %dma_wait3A_89 = tpu.memref_slice %arg14[%arg1, %dma_wait3A_86, %dma_wait3A_87, %dma_wait3A_88] : memref<16x2x64x512xf32, #tpu.memory_space<vmem_shared>> -> memref<1x2x64x512xf32, #tpu.memory_space<vmem_shared>>
        %dma_wait3A_90 = tpu.memref_squeeze %dma_wait3A_89 : memref<1x2x64x512xf32, #tpu.memory_space<vmem_shared>> -> memref<2x64x512xf32, #tpu.memory_space<vmem_shared>>
        %dma_wait3A_91 = arith.constant 0 : i32
        %dma_wait3A_92 = arith.constant 0 : i32
        %dma_wait3A_93 = tpu.memref_slice %dma_wait3A_90[%dma_wait3A, %dma_wait3A_91, %dma_wait3A_92] : memref<2x64x512xf32, #tpu.memory_space<vmem_shared>> -> memref<1x64x512xf32, #tpu.memory_space<vmem_shared>>
        %dma_wait3A_94 = tpu.memref_squeeze %dma_wait3A_93 : memref<1x64x512xf32, #tpu.memory_space<vmem_shared>> -> memref<64x512xf32, #tpu.memory_space<vmem_shared>>
        %dma_wait3A_95 = arith.constant 0 : i32
        %dma_wait3A_96 = arith.constant 0 : i32
        %dma_wait3A_97 = tpu.memref_slice %arg5[%dma_wait3A_95, %dma_wait3A_96] : memref<64x1000000xf32, #tpu.memory_space<hbm>> -> memref<64x512xf32, #tpu.memory_space<hbm>>
        tpu.wait_dma2 semaphore(%arg19 : memref<!tpu.dma_semaphore, #tpu.memory_space<semaphore_mem>>) src(%dma_wait3A_97 : memref<64x512xf32, #tpu.memory_space<hbm>>) dst(%dma_wait3A_94 : memref<64x512xf32, #tpu.memory_space<vmem_shared>>)
      } else {
      }
      %eq3A_55 = arith.constant 1 : i32
      %eq3A_56 = arith.cmpi eq, %rem3A_44, %eq3A_55 : i32
      %convert_element_type3A_57 = arith.extui %eq3A_56 : i1 to i32
      %cond3A_58 = arith.constant 0 : i32
      %cond3A_59 = arith.cmpi ne, %convert_element_type3A_57, %cond3A_58 : i32
      scf.if %cond3A_59 {
        %dma_wait3A = arith.constant 1 : i32
        %dma_wait3A_86 = arith.constant 0 : i32
        %dma_wait3A_87 = arith.constant 0 : i32
        %dma_wait3A_88 = arith.constant 0 : i32
        %dma_wait3A_89 = tpu.memref_slice %arg14[%arg1, %dma_wait3A_86, %dma_wait3A_87, %dma_wait3A_88] : memref<16x2x64x512xf32, #tpu.memory_space<vmem_shared>> -> memref<1x2x64x512xf32, #tpu.memory_space<vmem_shared>>
        %dma_wait3A_90 = tpu.memref_squeeze %dma_wait3A_89 : memref<1x2x64x512xf32, #tpu.memory_space<vmem_shared>> -> memref<2x64x512xf32, #tpu.memory_space<vmem_shared>>
        %dma_wait3A_91 = arith.constant 0 : i32
        %dma_wait3A_92 = arith.constant 0 : i32
        %dma_wait3A_93 = tpu.memref_slice %dma_wait3A_90[%dma_wait3A, %dma_wait3A_91, %dma_wait3A_92] : memref<2x64x512xf32, #tpu.memory_space<vmem_shared>> -> memref<1x64x512xf32, #tpu.memory_space<vmem_shared>>
        %dma_wait3A_94 = tpu.memref_squeeze %dma_wait3A_93 : memref<1x64x512xf32, #tpu.memory_space<vmem_shared>> -> memref<64x512xf32, #tpu.memory_space<vmem_shared>>
        %dma_wait3A_95 = arith.constant 0 : i32
        %dma_wait3A_96 = arith.constant 0 : i32
        %dma_wait3A_97 = tpu.memref_slice %arg5[%dma_wait3A_95, %dma_wait3A_96] : memref<64x1000000xf32, #tpu.memory_space<hbm>> -> memref<64x512xf32, #tpu.memory_space<hbm>>
        tpu.wait_dma2 semaphore(%arg20 : memref<!tpu.dma_semaphore, #tpu.memory_space<semaphore_mem>>) src(%dma_wait3A_97 : memref<64x512xf32, #tpu.memory_space<hbm>>) dst(%dma_wait3A_94 : memref<64x512xf32, #tpu.memory_space<vmem_shared>>)
      } else {
      }
      %mul3A_60 = arith.constant 62 : i32
      %mul3A_61 = arith.muli %add3A, %mul3A_60 : i32
      %add3A_62 = arith.addi %mul3A_61, %scan3A_42 : i32
      %broadcast_in_dim3A = vector.broadcast %add3A_62 : i32 to vector<16xi32>
      %gather3A = tpu.vector_load_idx %arg17[%broadcast_in_dim3A] : memref<2048xi32, #tpu.memory_space<vmem>>[vector<16xi32>], vector<16xi32>,
      %reduce_max3A = arith.constant true
      %reduce_max3A_63 = vector.broadcast %reduce_max3A : i1 to vector<16xi1>
      %reduce_max3A_64 = arith.constant -2147483648 : i32
      %reduce_max3A_65 = vector.broadcast %reduce_max3A_64 : i32 to vector<16xi32>
      %reduce_max3A_66 = arith.xori %gather3A, %reduce_max3A_65 : vector<16xi32>
      %reduce_max3A_67 = tpu.scan <max>, %reduce_max3A_66 masked %reduce_max3A_63 : vector<16xi32>, vector<16xi1> -> vector<16xi32>
      %reduce_max3A_68 = arith.xori %reduce_max3A_67, %reduce_max3A_65 : vector<16xi32>
      %reduce_max3A_69 = vector.extract %reduce_max3A_68[15] : i32 from vector<16xi32>
      %add3A_70 = arith.constant 1 : i32
      %add3A_71 = arith.addi %add3A_62, %add3A_70 : i32
      %broadcast_in_dim3A_72 = vector.broadcast %add3A_71 : i32 to vector<16xi32>
      %gather3A_73 = tpu.vector_load_idx %arg17[%broadcast_in_dim3A_72] : memref<2048xi32, #tpu.memory_space<vmem>>[vector<16xi32>], vector<16xi32>,
      %reduce_max3A_74 = arith.constant true
      %reduce_max3A_75 = vector.broadcast %reduce_max3A_74 : i1 to vector<16xi1>
      %reduce_max3A_76 = arith.constant -2147483648 : i32
      %reduce_max3A_77 = vector.broadcast %reduce_max3A_76 : i32 to vector<16xi32>
      %reduce_max3A_78 = arith.xori %gather3A_73, %reduce_max3A_77 : vector<16xi32>
      %reduce_max3A_79 = tpu.scan <max>, %reduce_max3A_78 masked %reduce_max3A_75 : vector<16xi32>, vector<16xi1> -> vector<16xi32>
      %reduce_max3A_80 = arith.xori %reduce_max3A_79, %reduce_max3A_77 : vector<16xi32>
      %reduce_max3A_81 = vector.extract %reduce_max3A_80[15] : i32 from vector<16xi32>
      %gt3A = arith.cmpi sgt, %reduce_max3A_81, %reduce_max3A_69 : i32
      %convert_element_type3A_82 = arith.extui %gt3A : i1 to i32
      %cond3A_83 = arith.constant 0 : i32
      %cond3A_84 = arith.cmpi ne, %convert_element_type3A_82, %cond3A_83 : i32
      scf.if %cond3A_84 {
        %mul3A_86 = arith.constant 512 : i32
        %mul3A_87 = arith.muli %add3A_62, %mul3A_86 : i32
        %ge3A_88 = arith.constant 999936 : i32
        %ge3A_89 = arith.cmpi sge, %mul3A_87, %ge3A_88 : i32
        %jit3A = arith.constant 999488 : i32
        %select_n3A = arith.select %ge3A_89, %jit3A, %mul3A_87 : i32
        %div3A = arith.constant 16 : i32
        %div3A_90 = arith.divsi %reduce_max3A_69, %div3A : i32
        %add3A_91 = arith.constant 15 : i32
        %add3A_92 = arith.addi %reduce_max3A_81, %add3A_91 : i32
        %div3A_93 = arith.constant 16 : i32
        %div3A_94 = arith.divsi %add3A_92, %div3A_93 : i32
        %while3A = arith.constant 0 : i32
        %while3A_95 = arith.subi %div3A_94, %div3A_90 : i32
        %while3A_96 = arith.addi %div3A_90, %while3A_95 : i32
        %while3A_97 = arith.constant 1 : i32
        %while3A_98 = arith.divsi %while3A_95, %while3A_97 : i32
        %while3A_99 = arith.muli %while3A_98, %while3A_97 : i32
        %while3A_100 = arith.addi %div3A_90, %while3A_99 : i32
        %while3A_101 = arith.constant 1 : i32
        %while3A_102 = scf.for %while3A_105 = %div3A_90 to %while3A_100 step %while3A_101 iter_args(%while3A_106 = %while3A) -> (i32)  : i32 {
          %mul3A_107 = arith.constant 16 : i32
          %mul3A_108 = arith.muli %while3A_105, %mul3A_107 : i32
          %multiple_of3A = tpu.assume_multiple %mul3A_108, 8 : i32
          %get3A = arith.index_cast %multiple_of3A : i32 to index
          %get3A_109 = tpu.vector_load %arg15[%get3A] {strides = array<i32>} : memref<16384xi32, #tpu.memory_space<vmem>>, vector<16xi32>,
          %get3A_110 = arith.index_cast %multiple_of3A : i32 to index
          %get3A_111 = tpu.vector_load %arg16[%get3A_110] {strides = array<i32>} : memref<16384xi32, #tpu.memory_space<vmem>>, vector<16xi32>,
          %ge3A_112 = vector.broadcast %mul3A_87 : i32 to vector<16xi32>
          %ge3A_113 = arith.cmpi sge, %get3A_109, %ge3A_112 : vector<16xi32>
          %add3A_114 = arith.constant 512 : i32
          %add3A_115 = arith.addi %mul3A_87, %add3A_114 : i32
          %lt3A_116 = vector.broadcast %add3A_115 : i32 to vector<16xi32>
          %lt3A_117 = arith.cmpi slt, %get3A_109, %lt3A_116 : vector<16xi32>
          %and3A = arith.andi %ge3A_113, %lt3A_117 : vector<16xi1>
          %sub3A = vector.broadcast %select_n3A : i32 to vector<16xi32>
          %sub3A_118 = arith.subi %get3A_109, %sub3A : vector<16xi32>
          %jit3A_119 = arith.constant 0 : i32
          %jit3A_120 = arith.constant 511 : i32
          %max3A = vector.broadcast %jit3A_119 : i32 to vector<16xi32>
          %max3A_121 = arith.maxsi %max3A, %sub3A_118 : vector<16xi32>
          %min3A = vector.broadcast %jit3A_120 : i32 to vector<16xi32>
          %min3A_122 = arith.minsi %min3A, %max3A_121 : vector<16xi32>
          %scan3A_123 = arith.constant 0 : i32
          %scan3A_124 = arith.constant 0 : i32
          %scan3A_125 = arith.constant 64 : i32
          %scan3A_126 = arith.addi %scan3A_124, %scan3A_125 : i32
          %scan3A_127 = arith.constant 1 : i32
          %scan3A_128 = scf.for %scan3A_139 = %scan3A_124 to %scan3A_126 step %scan3A_127 iter_args(%scan3A_140 = %scan3A_123) -> (i32)  : i32 {
            %broadcast_in_dim3A_141 = vector.broadcast %scan3A_139 : i32 to vector<16xi32>
            %jit3A_142 = arith.constant 0 : i32
            %jit3A_143 = arith.constant 127 : i32
            %max3A_144 = vector.broadcast %jit3A_142 : i32 to vector<16xi32>
            %max3A_145 = arith.maxsi %max3A_144, %min3A_122 : vector<16xi32>
            %min3A_146 = vector.broadcast %jit3A_143 : i32 to vector<16xi32>
            %min3A_147 = arith.minsi %min3A_146, %max3A_145 : vector<16xi32>
            %gather3A_148 = tpu.vector_load_idx %arg18[%broadcast_in_dim3A_141, %min3A_147] : memref<16x128xf32, #tpu.memory_space<vmem>>[vector<16xi32>, vector<16xi32>], vector<16xf32>,
            tpu.vector_store_idx %arg18[%iota3A, %broadcast_in_dim3A_141], %gather3A_148 : memref<16x128xf32, #tpu.memory_space<vmem>>[vector<16xi32>, vector<16xi32>], vector<16xf32>,
            %scan3A_149 = arith.constant 0 : i32
            scf.yield %scan3A_149 : i32
          }
          %scan3A_129 = arith.constant 64 : i32
          %jit3A_130 = arith.constant -1 : i32
          %broadcast_in_dim3A_131 = vector.broadcast %jit3A_130 : i32 to vector<16xi32>
          %select_n3A_132 = arith.select %and3A, %get3A_111, %broadcast_in_dim3A_131 : vector<16xi1>, vector<16xi32>
          %dma_start3A = arith.constant 0 : i32
          %dma_start3A_133 = arith.constant 0 : i32
          %dma_start3A_134 = tpu.memref_slice %arg12[%dma_start3A, %dma_start3A_133] : memref<16384x128xf32, #tpu.memory_space<hbm>> -> memref<16384x128xf32, #tpu.memory_space<hbm>>
          %dma_start3A_135 = arith.constant -1 : i32
          tpu.enqueue_indirect_dma source(%arg18 : memref<16x128xf32, #tpu.memory_space<vmem>>) target(%dma_start3A_134 : memref<16384x128xf32, #tpu.memory_space<hbm>>) offsets(%select_n3A_132 : vector<16xi32>) offset_filter(%dma_start3A_135) semaphore(%arg21 : memref<!tpu.dma_semaphore, #tpu.memory_space<semaphore_mem>>)
          %dma_wait3A = arith.constant 0 : i32
          %dma_wait3A_136 = arith.constant 0 : i32
          %dma_wait3A_137 = tpu.memref_slice %arg12[%dma_wait3A, %dma_wait3A_136] : memref<16384x128xf32, #tpu.memory_space<hbm>> -> memref<16384x128xf32, #tpu.memory_space<hbm>>
          tpu.wait_indirect_dma semaphore(%arg21 : memref<!tpu.dma_semaphore, #tpu.memory_space<semaphore_mem>>) src(%arg18 : memref<16x128xf32, #tpu.memory_space<vmem>>) dst(%dma_wait3A_137 : memref<16384x128xf32, #tpu.memory_space<hbm>>)
          %while3A_138 = arith.constant 0 : i32
          scf.yield %while3A_138 : i32
        }
        %while3A_103 = arith.constant 1 : i32
        %while3A_104 = scf.for %while3A_105 = %while3A_100 to %while3A_96 step %while3A_103 iter_args(%while3A_106 = %while3A_102) -> (i32)  : i32 {
          %mul3A_107 = arith.constant 16 : i32
          %mul3A_108 = arith.muli %while3A_105, %mul3A_107 : i32
          %multiple_of3A = tpu.assume_multiple %mul3A_108, 8 : i32
          %get3A = arith.index_cast %multiple_of3A : i32 to index
          %get3A_109 = tpu.vector_load %arg15[%get3A] {strides = array<i32>} : memref<16384xi32, #tpu.memory_space<vmem>>, vector<16xi32>,
          %get3A_110 = arith.index_cast %multiple_of3A : i32 to index
          %get3A_111 = tpu.vector_load %arg16[%get3A_110] {strides = array<i32>} : memref<16384xi32, #tpu.memory_space<vmem>>, vector<16xi32>,
          %ge3A_112 = vector.broadcast %mul3A_87 : i32 to vector<16xi32>
          %ge3A_113 = arith.cmpi sge, %get3A_109, %ge3A_112 : vector<16xi32>
          %add3A_114 = arith.constant 512 : i32
          %add3A_115 = arith.addi %mul3A_87, %add3A_114 : i32
          %lt3A_116 = vector.broadcast %add3A_115 : i32 to vector<16xi32>
          %lt3A_117 = arith.cmpi slt, %get3A_109, %lt3A_116 : vector<16xi32>
          %and3A = arith.andi %ge3A_113, %lt3A_117 : vector<16xi1>
          %sub3A = vector.broadcast %select_n3A : i32 to vector<16xi32>
          %sub3A_118 = arith.subi %get3A_109, %sub3A : vector<16xi32>
          %jit3A_119 = arith.constant 0 : i32
          %jit3A_120 = arith.constant 511 : i32
          %max3A = vector.broadcast %jit3A_119 : i32 to vector<16xi32>
          %max3A_121 = arith.maxsi %max3A, %sub3A_118 : vector<16xi32>
          %min3A = vector.broadcast %jit3A_120 : i32 to vector<16xi32>
          %min3A_122 = arith.minsi %min3A, %max3A_121 : vector<16xi32>
          %scan3A_123 = arith.constant 0 : i32
          %scan3A_124 = arith.constant 0 : i32
          %scan3A_125 = arith.constant 64 : i32
          %scan3A_126 = arith.addi %scan3A_124, %scan3A_125 : i32
          %scan3A_127 = arith.constant 1 : i32
          %scan3A_128 = scf.for %scan3A_139 = %scan3A_124 to %scan3A_126 step %scan3A_127 iter_args(%scan3A_140 = %scan3A_123) -> (i32)  : i32 {
            %broadcast_in_dim3A_141 = vector.broadcast %scan3A_139 : i32 to vector<16xi32>
            %jit3A_142 = arith.constant 0 : i32
            %jit3A_143 = arith.constant 127 : i32
            %max3A_144 = vector.broadcast %jit3A_142 : i32 to vector<16xi32>
            %max3A_145 = arith.maxsi %max3A_144, %min3A_122 : vector<16xi32>
            %min3A_146 = vector.broadcast %jit3A_143 : i32 to vector<16xi32>
            %min3A_147 = arith.minsi %min3A_146, %max3A_145 : vector<16xi32>
            %gather3A_148 = tpu.vector_load_idx %arg18[%broadcast_in_dim3A_141, %min3A_147] : memref<16x128xf32, #tpu.memory_space<vmem>>[vector<16xi32>, vector<16xi32>], vector<16xf32>,
            tpu.vector_store_idx %arg18[%iota3A, %broadcast_in_dim3A_141], %gather3A_148 : memref<16x128xf32, #tpu.memory_space<vmem>>[vector<16xi32>, vector<16xi32>], vector<16xf32>,
            %scan3A_149 = arith.constant 0 : i32
            scf.yield %scan3A_149 : i32
          }
          %scan3A_129 = arith.constant 64 : i32
          %jit3A_130 = arith.constant -1 : i32
          %broadcast_in_dim3A_131 = vector.broadcast %jit3A_130 : i32 to vector<16xi32>
          %select_n3A_132 = arith.select %and3A, %get3A_111, %broadcast_in_dim3A_131 : vector<16xi1>, vector<16xi32>
          %dma_start3A = arith.constant 0 : i32
          %dma_start3A_133 = arith.constant 0 : i32
          %dma_start3A_134 = tpu.memref_slice %arg12[%dma_start3A, %dma_start3A_133] : memref<16384x128xf32, #tpu.memory_space<hbm>> -> memref<16384x128xf32, #tpu.memory_space<hbm>>
          %dma_start3A_135 = arith.constant -1 : i32
          tpu.enqueue_indirect_dma source(%arg18 : memref<16x128xf32, #tpu.memory_space<vmem>>) target(%dma_start3A_134 : memref<16384x128xf32, #tpu.memory_space<hbm>>) offsets(%select_n3A_132 : vector<16xi32>) offset_filter(%dma_start3A_135) semaphore(%arg21 : memref<!tpu.dma_semaphore, #tpu.memory_space<semaphore_mem>>)
          %dma_wait3A = arith.constant 0 : i32
          %dma_wait3A_136 = arith.constant 0 : i32
          %dma_wait3A_137 = tpu.memref_slice %arg12[%dma_wait3A, %dma_wait3A_136] : memref<16384x128xf32, #tpu.memory_space<hbm>> -> memref<16384x128xf32, #tpu.memory_space<hbm>>
          tpu.wait_indirect_dma semaphore(%arg21 : memref<!tpu.dma_semaphore, #tpu.memory_space<semaphore_mem>>) src(%arg18 : memref<16x128xf32, #tpu.memory_space<vmem>>) dst(%dma_wait3A_137 : memref<16384x128xf32, #tpu.memory_space<hbm>>)
          %while3A_138 = arith.constant 0 : i32
          scf.yield %while3A_138 : i32
        }
      } else {
      }
      %scan3A_85 = arith.constant 0 : i32
      scf.yield %scan3A_85 : i32
    }
    %scan3A_18 = arith.constant 62 : i32
    "tpu.region"() ({
      %run_scoped3A = tpu.sem_alloc : memref<!tpu.dma_semaphore, #tpu.memory_space<semaphore_mem>>
      tpu.enqueue_dma source(%arg9 : memref<2048xi32, #tpu.memory_space<hbm>>) target(%arg17 : memref<2048xi32, #tpu.memory_space<vmem>>) target_semaphore(%run_scoped3A : memref<!tpu.dma_semaphore, #tpu.memory_space<semaphore_mem>>)
      tpu.wait_dma2 semaphore(%run_scoped3A : memref<!tpu.dma_semaphore, #tpu.memory_space<semaphore_mem>>) src(%arg9 : memref<2048xi32, #tpu.memory_space<hbm>>) dst(%arg17 : memref<2048xi32, #tpu.memory_space<vmem>>)
      tpu.yield
    }) : () -> ()
    "tpu.region"() ({
      %run_scoped3A = tpu.sem_alloc : memref<!tpu.dma_semaphore, #tpu.memory_space<semaphore_mem>>
      tpu.enqueue_dma source(%arg7 : memref<16384xi32, #tpu.memory_space<hbm>>) target(%arg15 : memref<16384xi32, #tpu.memory_space<vmem>>) target_semaphore(%run_scoped3A : memref<!tpu.dma_semaphore, #tpu.memory_space<semaphore_mem>>)
      tpu.wait_dma2 semaphore(%run_scoped3A : memref<!tpu.dma_semaphore, #tpu.memory_space<semaphore_mem>>) src(%arg7 : memref<16384xi32, #tpu.memory_space<hbm>>) dst(%arg15 : memref<16384xi32, #tpu.memory_space<vmem>>)
      tpu.yield
    }) : () -> ()
    "tpu.region"() ({
      %run_scoped3A = tpu.sem_alloc : memref<!tpu.dma_semaphore, #tpu.memory_space<semaphore_mem>>
      tpu.enqueue_dma source(%arg8 : memref<16384xi32, #tpu.memory_space<hbm>>) target(%arg16 : memref<16384xi32, #tpu.memory_space<vmem>>) target_semaphore(%run_scoped3A : memref<!tpu.dma_semaphore, #tpu.memory_space<semaphore_mem>>)
      tpu.wait_dma2 semaphore(%run_scoped3A : memref<!tpu.dma_semaphore, #tpu.memory_space<semaphore_mem>>) src(%arg8 : memref<16384xi32, #tpu.memory_space<hbm>>) dst(%arg16 : memref<16384xi32, #tpu.memory_space<vmem>>)
      tpu.yield
    }) : () -> ()
    %mul3A_19 = arith.constant 62 : i32
    %mul3A_20 = arith.muli %add3A, %mul3A_19 : i32
    %add3A_21 = arith.constant 0 : i32
    %add3A_22 = arith.addi %mul3A_20, %add3A_21 : i32
    %mul3A_23 = arith.constant 512 : i32
    %mul3A_24 = arith.muli %add3A_22, %mul3A_23 : i32
    %ge3A_25 = arith.constant 999936 : i32
    %ge3A_26 = arith.cmpi sge, %mul3A_24, %ge3A_25 : i32
    %not3A_27 = arith.constant true
    %not3A_28 = arith.xori %ge3A_26, %not3A_27 : i1
    %convert_element_type3A_29 = arith.extui %not3A_28 : i1 to i32
    %cond3A_30 = arith.constant 0 : i32
    %cond3A_31 = arith.cmpi ne, %convert_element_type3A_29, %cond3A_30 : i32
    scf.if %cond3A_31 {
      %min3A = arith.constant 999488 : i32
      %min3A_42 = arith.minsi %mul3A_24, %min3A : i32
      %multiple_of3A = tpu.assume_multiple %min3A_42, 128 : i32
      %dma_start3A = arith.constant 0 : i32
      %dma_start3A_43 = arith.constant 0 : i32
      %dma_start3A_44 = arith.constant 0 : i32
      %dma_start3A_45 = arith.constant 0 : i32
      %dma_start3A_46 = tpu.memref_slice %arg14[%arg1, %dma_start3A_43, %dma_start3A_44, %dma_start3A_45] : memref<16x2x64x512xf32, #tpu.memory_space<vmem_shared>> -> memref<1x2x64x512xf32, #tpu.memory_space<vmem_shared>>
      %dma_start3A_47 = tpu.memref_squeeze %dma_start3A_46 : memref<1x2x64x512xf32, #tpu.memory_space<vmem_shared>> -> memref<2x64x512xf32, #tpu.memory_space<vmem_shared>>
      %dma_start3A_48 = arith.constant 0 : i32
      %dma_start3A_49 = arith.constant 0 : i32
      %dma_start3A_50 = tpu.memref_slice %dma_start3A_47[%dma_start3A, %dma_start3A_48, %dma_start3A_49] : memref<2x64x512xf32, #tpu.memory_space<vmem_shared>> -> memref<1x8x512xf32, #tpu.memory_space<vmem_shared>>
      %dma_start3A_51 = tpu.memref_squeeze %dma_start3A_50 : memref<1x8x512xf32, #tpu.memory_space<vmem_shared>> -> memref<8x512xf32, #tpu.memory_space<vmem_shared>>
      %dma_start3A_52 = arith.constant 0 : i32
      %dma_start3A_53 = tpu.memref_slice %arg10[%dma_start3A_52, %multiple_of3A] : memref<64x1000000xf32, #tpu.memory_space<hbm>> -> memref<8x512xf32, #tpu.memory_space<hbm>>
      tpu.enqueue_dma source(%dma_start3A_53 : memref<8x512xf32, #tpu.memory_space<hbm>>) target(%dma_start3A_51 : memref<8x512xf32, #tpu.memory_space<vmem_shared>>) target_semaphore(%arg19 : memref<!tpu.dma_semaphore, #tpu.memory_space<semaphore_mem>>)
      %dma_start3A_54 = arith.constant 0 : i32
      %dma_start3A_55 = arith.constant 0 : i32
      %dma_start3A_56 = arith.constant 0 : i32
      %dma_start3A_57 = arith.constant 0 : i32
      %dma_start3A_58 = tpu.memref_slice %arg14[%arg1, %dma_start3A_55, %dma_start3A_56, %dma_start3A_57] : memref<16x2x64x512xf32, #tpu.memory_space<vmem_shared>> -> memref<1x2x64x512xf32, #tpu.memory_space<vmem_shared>>
      %dma_start3A_59 = tpu.memref_squeeze %dma_start3A_58 : memref<1x2x64x512xf32, #tpu.memory_space<vmem_shared>> -> memref<2x64x512xf32, #tpu.memory_space<vmem_shared>>
      %dma_start3A_60 = arith.constant 8 : i32
      %dma_start3A_61 = arith.constant 0 : i32
      %dma_start3A_62 = tpu.memref_slice %dma_start3A_59[%dma_start3A_54, %dma_start3A_60, %dma_start3A_61] : memref<2x64x512xf32, #tpu.memory_space<vmem_shared>> -> memref<1x8x512xf32, #tpu.memory_space<vmem_shared>>
      %dma_start3A_63 = tpu.memref_squeeze %dma_start3A_62 : memref<1x8x512xf32, #tpu.memory_space<vmem_shared>> -> memref<8x512xf32, #tpu.memory_space<vmem_shared>>
      %dma_start3A_64 = arith.constant 8 : i32
      %dma_start3A_65 = tpu.memref_slice %arg10[%dma_start3A_64, %multiple_of3A] : memref<64x1000000xf32, #tpu.memory_space<hbm>> -> memref<8x512xf32, #tpu.memory_space<hbm>>
      tpu.enqueue_dma source(%dma_start3A_65 : memref<8x512xf32, #tpu.memory_space<hbm>>) target(%dma_start3A_63 : memref<8x512xf32, #tpu.memory_space<vmem_shared>>) target_semaphore(%arg19 : memref<!tpu.dma_semaphore, #tpu.memory_space<semaphore_mem>>)
      %dma_start3A_66 = arith.constant 0 : i32
      %dma_start3A_67 = arith.constant 0 : i32
      %dma_start3A_68 = arith.constant 0 : i32
      %dma_start3A_69 = arith.constant 0 : i32
      %dma_start3A_70 = tpu.memref_slice %arg14[%arg1, %dma_start3A_67, %dma_start3A_68, %dma_start3A_69] : memref<16x2x64x512xf32, #tpu.memory_space<vmem_shared>> -> memref<1x2x64x512xf32, #tpu.memory_space<vmem_shared>>
      %dma_start3A_71 = tpu.memref_squeeze %dma_start3A_70 : memref<1x2x64x512xf32, #tpu.memory_space<vmem_shared>> -> memref<2x64x512xf32, #tpu.memory_space<vmem_shared>>
      %dma_start3A_72 = arith.constant 16 : i32
      %dma_start3A_73 = arith.constant 0 : i32
      %dma_start3A_74 = tpu.memref_slice %dma_start3A_71[%dma_start3A_66, %dma_start3A_72, %dma_start3A_73] : memref<2x64x512xf32, #tpu.memory_space<vmem_shared>> -> memref<1x8x512xf32, #tpu.memory_space<vmem_shared>>
      %dma_start3A_75 = tpu.memref_squeeze %dma_start3A_74 : memref<1x8x512xf32, #tpu.memory_space<vmem_shared>> -> memref<8x512xf32, #tpu.memory_space<vmem_shared>>
      %dma_start3A_76 = arith.constant 16 : i32
      %dma_start3A_77 = tpu.memref_slice %arg10[%dma_start3A_76, %multiple_of3A] : memref<64x1000000xf32, #tpu.memory_space<hbm>> -> memref<8x512xf32, #tpu.memory_space<hbm>>
      tpu.enqueue_dma source(%dma_start3A_77 : memref<8x512xf32, #tpu.memory_space<hbm>>) target(%dma_start3A_75 : memref<8x512xf32, #tpu.memory_space<vmem_shared>>) target_semaphore(%arg19 : memref<!tpu.dma_semaphore, #tpu.memory_space<semaphore_mem>>)
      %dma_start3A_78 = arith.constant 0 : i32
      %dma_start3A_79 = arith.constant 0 : i32
      %dma_start3A_80 = arith.constant 0 : i32
      %dma_start3A_81 = arith.constant 0 : i32
      %dma_start3A_82 = tpu.memref_slice %arg14[%arg1, %dma_start3A_79, %dma_start3A_80, %dma_start3A_81] : memref<16x2x64x512xf32, #tpu.memory_space<vmem_shared>> -> memref<1x2x64x512xf32, #tpu.memory_space<vmem_shared>>
      %dma_start3A_83 = tpu.memref_squeeze %dma_start3A_82 : memref<1x2x64x512xf32, #tpu.memory_space<vmem_shared>> -> memref<2x64x512xf32, #tpu.memory_space<vmem_shared>>
      %dma_start3A_84 = arith.constant 24 : i32
      %dma_start3A_85 = arith.constant 0 : i32
      %dma_start3A_86 = tpu.memref_slice %dma_start3A_83[%dma_start3A_78, %dma_start3A_84, %dma_start3A_85] : memref<2x64x512xf32, #tpu.memory_space<vmem_shared>> -> memref<1x8x512xf32, #tpu.memory_space<vmem_shared>>
      %dma_start3A_87 = tpu.memref_squeeze %dma_start3A_86 : memref<1x8x512xf32, #tpu.memory_space<vmem_shared>> -> memref<8x512xf32, #tpu.memory_space<vmem_shared>>
      %dma_start3A_88 = arith.constant 24 : i32
      %dma_start3A_89 = tpu.memref_slice %arg10[%dma_start3A_88, %multiple_of3A] : memref<64x1000000xf32, #tpu.memory_space<hbm>> -> memref<8x512xf32, #tpu.memory_space<hbm>>
      tpu.enqueue_dma source(%dma_start3A_89 : memref<8x512xf32, #tpu.memory_space<hbm>>) target(%dma_start3A_87 : memref<8x512xf32, #tpu.memory_space<vmem_shared>>) target_semaphore(%arg19 : memref<!tpu.dma_semaphore, #tpu.memory_space<semaphore_mem>>)
      %dma_start3A_90 = arith.constant 0 : i32
      %dma_start3A_91 = arith.constant 0 : i32
      %dma_start3A_92 = arith.constant 0 : i32
      %dma_start3A_93 = arith.constant 0 : i32
      %dma_start3A_94 = tpu.memref_slice %arg14[%arg1, %dma_start3A_91, %dma_start3A_92, %dma_start3A_93] : memref<16x2x64x512xf32, #tpu.memory_space<vmem_shared>> -> memref<1x2x64x512xf32, #tpu.memory_space<vmem_shared>>
      %dma_start3A_95 = tpu.memref_squeeze %dma_start3A_94 : memref<1x2x64x512xf32, #tpu.memory_space<vmem_shared>> -> memref<2x64x512xf32, #tpu.memory_space<vmem_shared>>
      %dma_start3A_96 = arith.constant 32 : i32
      %dma_start3A_97 = arith.constant 0 : i32
      %dma_start3A_98 = tpu.memref_slice %dma_start3A_95[%dma_start3A_90, %dma_start3A_96, %dma_start3A_97] : memref<2x64x512xf32, #tpu.memory_space<vmem_shared>> -> memref<1x8x512xf32, #tpu.memory_space<vmem_shared>>
      %dma_start3A_99 = tpu.memref_squeeze %dma_start3A_98 : memref<1x8x512xf32, #tpu.memory_space<vmem_shared>> -> memref<8x512xf32, #tpu.memory_space<vmem_shared>>
      %dma_start3A_100 = arith.constant 32 : i32
      %dma_start3A_101 = tpu.memref_slice %arg10[%dma_start3A_100, %multiple_of3A] : memref<64x1000000xf32, #tpu.memory_space<hbm>> -> memref<8x512xf32, #tpu.memory_space<hbm>>
      tpu.enqueue_dma source(%dma_start3A_101 : memref<8x512xf32, #tpu.memory_space<hbm>>) target(%dma_start3A_99 : memref<8x512xf32, #tpu.memory_space<vmem_shared>>) target_semaphore(%arg19 : memref<!tpu.dma_semaphore, #tpu.memory_space<semaphore_mem>>)
      %dma_start3A_102 = arith.constant 0 : i32
      %dma_start3A_103 = arith.constant 0 : i32
      %dma_start3A_104 = arith.constant 0 : i32
      %dma_start3A_105 = arith.constant 0 : i32
      %dma_start3A_106 = tpu.memref_slice %arg14[%arg1, %dma_start3A_103, %dma_start3A_104, %dma_start3A_105] : memref<16x2x64x512xf32, #tpu.memory_space<vmem_shared>> -> memref<1x2x64x512xf32, #tpu.memory_space<vmem_shared>>
      %dma_start3A_107 = tpu.memref_squeeze %dma_start3A_106 : memref<1x2x64x512xf32, #tpu.memory_space<vmem_shared>> -> memref<2x64x512xf32, #tpu.memory_space<vmem_shared>>
      %dma_start3A_108 = arith.constant 40 : i32
      %dma_start3A_109 = arith.constant 0 : i32
      %dma_start3A_110 = tpu.memref_slice %dma_start3A_107[%dma_start3A_102, %dma_start3A_108, %dma_start3A_109] : memref<2x64x512xf32, #tpu.memory_space<vmem_shared>> -> memref<1x8x512xf32, #tpu.memory_space<vmem_shared>>
      %dma_start3A_111 = tpu.memref_squeeze %dma_start3A_110 : memref<1x8x512xf32, #tpu.memory_space<vmem_shared>> -> memref<8x512xf32, #tpu.memory_space<vmem_shared>>
      %dma_start3A_112 = arith.constant 40 : i32
      %dma_start3A_113 = tpu.memref_slice %arg10[%dma_start3A_112, %multiple_of3A] : memref<64x1000000xf32, #tpu.memory_space<hbm>> -> memref<8x512xf32, #tpu.memory_space<hbm>>
      tpu.enqueue_dma source(%dma_start3A_113 : memref<8x512xf32, #tpu.memory_space<hbm>>) target(%dma_start3A_111 : memref<8x512xf32, #tpu.memory_space<vmem_shared>>) target_semaphore(%arg19 : memref<!tpu.dma_semaphore, #tpu.memory_space<semaphore_mem>>)
      %dma_start3A_114 = arith.constant 0 : i32
      %dma_start3A_115 = arith.constant 0 : i32
      %dma_start3A_116 = arith.constant 0 : i32
      %dma_start3A_117 = arith.constant 0 : i32
      %dma_start3A_118 = tpu.memref_slice %arg14[%arg1, %dma_start3A_115, %dma_start3A_116, %dma_start3A_117] : memref<16x2x64x512xf32, #tpu.memory_space<vmem_shared>> -> memref<1x2x64x512xf32, #tpu.memory_space<vmem_shared>>
      %dma_start3A_119 = tpu.memref_squeeze %dma_start3A_118 : memref<1x2x64x512xf32, #tpu.memory_space<vmem_shared>> -> memref<2x64x512xf32, #tpu.memory_space<vmem_shared>>
      %dma_start3A_120 = arith.constant 48 : i32
      %dma_start3A_121 = arith.constant 0 : i32
      %dma_start3A_122 = tpu.memref_slice %dma_start3A_119[%dma_start3A_114, %dma_start3A_120, %dma_start3A_121] : memref<2x64x512xf32, #tpu.memory_space<vmem_shared>> -> memref<1x8x512xf32, #tpu.memory_space<vmem_shared>>
      %dma_start3A_123 = tpu.memref_squeeze %dma_start3A_122 : memref<1x8x512xf32, #tpu.memory_space<vmem_shared>> -> memref<8x512xf32, #tpu.memory_space<vmem_shared>>
      %dma_start3A_124 = arith.constant 48 : i32
      %dma_start3A_125 = tpu.memref_slice %arg10[%dma_start3A_124, %multiple_of3A] : memref<64x1000000xf32, #tpu.memory_space<hbm>> -> memref<8x512xf32, #tpu.memory_space<hbm>>
      tpu.enqueue_dma source(%dma_start3A_125 : memref<8x512xf32, #tpu.memory_space<hbm>>) target(%dma_start3A_123 : memref<8x512xf32, #tpu.memory_space<vmem_shared>>) target_semaphore(%arg19 : memref<!tpu.dma_semaphore, #tpu.memory_space<semaphore_mem>>)
      %dma_start3A_126 = arith.constant 0 : i32
      %dma_start3A_127 = arith.constant 0 : i32
      %dma_start3A_128 = arith.constant 0 : i32
      %dma_start3A_129 = arith.constant 0 : i32
      %dma_start3A_130 = tpu.memref_slice %arg14[%arg1, %dma_start3A_127, %dma_start3A_128, %dma_start3A_129] : memref<16x2x64x512xf32, #tpu.memory_space<vmem_shared>> -> memref<1x2x64x512xf32, #tpu.memory_space<vmem_shared>>
      %dma_start3A_131 = tpu.memref_squeeze %dma_start3A_130 : memref<1x2x64x512xf32, #tpu.memory_space<vmem_shared>> -> memref<2x64x512xf32, #tpu.memory_space<vmem_shared>>
      %dma_start3A_132 = arith.constant 56 : i32
      %dma_start3A_133 = arith.constant 0 : i32
      %dma_start3A_134 = tpu.memref_slice %dma_start3A_131[%dma_start3A_126, %dma_start3A_132, %dma_start3A_133] : memref<2x64x512xf32, #tpu.memory_space<vmem_shared>> -> memref<1x8x512xf32, #tpu.memory_space<vmem_shared>>
      %dma_start3A_135 = tpu.memref_squeeze %dma_start3A_134 : memref<1x8x512xf32, #tpu.memory_space<vmem_shared>> -> memref<8x512xf32, #tpu.memory_space<vmem_shared>>
      %dma_start3A_136 = arith.constant 56 : i32
      %dma_start3A_137 = tpu.memref_slice %arg10[%dma_start3A_136, %multiple_of3A] : memref<64x1000000xf32, #tpu.memory_space<hbm>> -> memref<8x512xf32, #tpu.memory_space<hbm>>
      tpu.enqueue_dma source(%dma_start3A_137 : memref<8x512xf32, #tpu.memory_space<hbm>>) target(%dma_start3A_135 : memref<8x512xf32, #tpu.memory_space<vmem_shared>>) target_semaphore(%arg19 : memref<!tpu.dma_semaphore, #tpu.memory_space<semaphore_mem>>)
    } else {
    }
    %convert_element_type3A_32 = arith.extui %ge3A_26 : i1 to i32
    %cond3A_33 = arith.constant 0 : i32
    %cond3A_34 = arith.cmpi ne, %convert_element_type3A_32, %cond3A_33 : i32
    scf.if %cond3A_34 {
      %dma_start3A = arith.constant 0 : i32
      %dma_start3A_42 = arith.constant 0 : i32
      %dma_start3A_43 = arith.constant 0 : i32
      %dma_start3A_44 = arith.constant 0 : i32
      %dma_start3A_45 = tpu.memref_slice %arg14[%arg1, %dma_start3A_42, %dma_start3A_43, %dma_start3A_44] : memref<16x2x64x512xf32, #tpu.memory_space<vmem_shared>> -> memref<1x2x64x512xf32, #tpu.memory_space<vmem_shared>>
      %dma_start3A_46 = tpu.memref_squeeze %dma_start3A_45 : memref<1x2x64x512xf32, #tpu.memory_space<vmem_shared>> -> memref<2x64x512xf32, #tpu.memory_space<vmem_shared>>
      %dma_start3A_47 = arith.constant 0 : i32
      %dma_start3A_48 = arith.constant 0 : i32
      %dma_start3A_49 = tpu.memref_slice %dma_start3A_46[%dma_start3A, %dma_start3A_47, %dma_start3A_48] : memref<2x64x512xf32, #tpu.memory_space<vmem_shared>> -> memref<1x64x512xf32, #tpu.memory_space<vmem_shared>>
      %dma_start3A_50 = tpu.memref_squeeze %dma_start3A_49 : memref<1x64x512xf32, #tpu.memory_space<vmem_shared>> -> memref<64x512xf32, #tpu.memory_space<vmem_shared>>
      tpu.enqueue_dma source(%arg11 : memref<64x512xf32, #tpu.memory_space<hbm>>) target(%dma_start3A_50 : memref<64x512xf32, #tpu.memory_space<vmem_shared>>) target_semaphore(%arg19 : memref<!tpu.dma_semaphore, #tpu.memory_space<semaphore_mem>>)
    } else {
    }
    %scan3A_35 = arith.constant 0 : i32
    %scan3A_36 = arith.constant 0 : i32
    %scan3A_37 = arith.constant 62 : i32
    %scan3A_38 = arith.addi %scan3A_36, %scan3A_37 : i32
    %scan3A_39 = arith.constant 1 : i32
    %scan3A_40 = scf.for %scan3A_42 = %scan3A_36 to %scan3A_38 step %scan3A_39 iter_args(%scan3A_43 = %scan3A_35) -> (i32)  : i32 {
      %rem3A = arith.constant 2 : i32
      %rem3A_44 = arith.remsi %scan3A_42, %rem3A : i32
      %add3A_45 = arith.constant 1 : i32
      %add3A_46 = arith.addi %scan3A_42, %add3A_45 : i32
      %lt3A = arith.constant 62 : i32
      %lt3A_47 = arith.cmpi slt, %add3A_46, %lt3A : i32
      %convert_element_type3A_48 = arith.extui %lt3A_47 : i1 to i32
      %cond3A_49 = arith.constant 0 : i32
      %cond3A_50 = arith.cmpi ne, %convert_element_type3A_48, %cond3A_49 : i32
      scf.if %cond3A_50 {
        %eq3A_86 = arith.constant 0 : i32
        %eq3A_87 = arith.cmpi eq, %rem3A_44, %eq3A_86 : i32
        %convert_element_type3A_88 = arith.extui %eq3A_87 : i1 to i32
        %cond3A_89 = arith.constant 0 : i32
        %cond3A_90 = arith.cmpi ne, %convert_element_type3A_88, %cond3A_89 : i32
        scf.if %cond3A_90 {
          %add3A_96 = arith.constant 1 : i32
          %add3A_97 = arith.addi %scan3A_42, %add3A_96 : i32
          %mul3A_98 = arith.constant 62 : i32
          %mul3A_99 = arith.muli %add3A, %mul3A_98 : i32
          %add3A_100 = arith.addi %mul3A_99, %add3A_97 : i32
          %mul3A_101 = arith.constant 512 : i32
          %mul3A_102 = arith.muli %add3A_100, %mul3A_101 : i32
          %ge3A_103 = arith.constant 999936 : i32
          %ge3A_104 = arith.cmpi sge, %mul3A_102, %ge3A_103 : i32
          %not3A_105 = arith.constant true
          %not3A_106 = arith.xori %ge3A_104, %not3A_105 : i1
          %convert_element_type3A_107 = arith.extui %not3A_106 : i1 to i32
          %cond3A_108 = arith.constant 0 : i32
          %cond3A_109 = arith.cmpi ne, %convert_element_type3A_107, %cond3A_108 : i32
          scf.if %cond3A_109 {
            %min3A = arith.constant 999488 : i32
            %min3A_113 = arith.minsi %mul3A_102, %min3A : i32
            %multiple_of3A = tpu.assume_multiple %min3A_113, 128 : i32
            %dma_start3A = arith.constant 1 : i32
            %dma_start3A_114 = arith.constant 0 : i32
            %dma_start3A_115 = arith.constant 0 : i32
            %dma_start3A_116 = arith.constant 0 : i32
            %dma_start3A_117 = tpu.memref_slice %arg14[%arg1, %dma_start3A_114, %dma_start3A_115, %dma_start3A_116] : memref<16x2x64x512xf32, #tpu.memory_space<vmem_shared>> -> memref<1x2x64x512xf32, #tpu.memory_space<vmem_shared>>
            %dma_start3A_118 = tpu.memref_squeeze %dma_start3A_117 : memref<1x2x64x512xf32, #tpu.memory_space<vmem_shared>> -> memref<2x64x512xf32, #tpu.memory_space<vmem_shared>>
            %dma_start3A_119 = arith.constant 0 : i32
            %dma_start3A_120 = arith.constant 0 : i32
            %dma_start3A_121 = tpu.memref_slice %dma_start3A_118[%dma_start3A, %dma_start3A_119, %dma_start3A_120] : memref<2x64x512xf32, #tpu.memory_space<vmem_shared>> -> memref<1x8x512xf32, #tpu.memory_space<vmem_shared>>
            %dma_start3A_122 = tpu.memref_squeeze %dma_start3A_121 : memref<1x8x512xf32, #tpu.memory_space<vmem_shared>> -> memref<8x512xf32, #tpu.memory_space<vmem_shared>>
            %dma_start3A_123 = arith.constant 0 : i32
            %dma_start3A_124 = tpu.memref_slice %arg10[%dma_start3A_123, %multiple_of3A] : memref<64x1000000xf32, #tpu.memory_space<hbm>> -> memref<8x512xf32, #tpu.memory_space<hbm>>
            tpu.enqueue_dma source(%dma_start3A_124 : memref<8x512xf32, #tpu.memory_space<hbm>>) target(%dma_start3A_122 : memref<8x512xf32, #tpu.memory_space<vmem_shared>>) target_semaphore(%arg20 : memref<!tpu.dma_semaphore, #tpu.memory_space<semaphore_mem>>)
            %dma_start3A_125 = arith.constant 1 : i32
            %dma_start3A_126 = arith.constant 0 : i32
            %dma_start3A_127 = arith.constant 0 : i32
            %dma_start3A_128 = arith.constant 0 : i32
            %dma_start3A_129 = tpu.memref_slice %arg14[%arg1, %dma_start3A_126, %dma_start3A_127, %dma_start3A_128] : memref<16x2x64x512xf32, #tpu.memory_space<vmem_shared>> -> memref<1x2x64x512xf32, #tpu.memory_space<vmem_shared>>
            %dma_start3A_130 = tpu.memref_squeeze %dma_start3A_129 : memref<1x2x64x512xf32, #tpu.memory_space<vmem_shared>> -> memref<2x64x512xf32, #tpu.memory_space<vmem_shared>>
            %dma_start3A_131 = arith.constant 8 : i32
            %dma_start3A_132 = arith.constant 0 : i32
            %dma_start3A_133 = tpu.memref_slice %dma_start3A_130[%dma_start3A_125, %dma_start3A_131, %dma_start3A_132] : memref<2x64x512xf32, #tpu.memory_space<vmem_shared>> -> memref<1x8x512xf32, #tpu.memory_space<vmem_shared>>
            %dma_start3A_134 = tpu.memref_squeeze %dma_start3A_133 : memref<1x8x512xf32, #tpu.memory_space<vmem_shared>> -> memref<8x512xf32, #tpu.memory_space<vmem_shared>>
            %dma_start3A_135 = arith.constant 8 : i32
            %dma_start3A_136 = tpu.memref_slice %arg10[%dma_start3A_135, %multiple_of3A] : memref<64x1000000xf32, #tpu.memory_space<hbm>> -> memref<8x512xf32, #tpu.memory_space<hbm>>
            tpu.enqueue_dma source(%dma_start3A_136 : memref<8x512xf32, #tpu.memory_space<hbm>>) target(%dma_start3A_134 : memref<8x512xf32, #tpu.memory_space<vmem_shared>>) target_semaphore(%arg20 : memref<!tpu.dma_semaphore, #tpu.memory_space<semaphore_mem>>)
            %dma_start3A_137 = arith.constant 1 : i32
            %dma_start3A_138 = arith.constant 0 : i32
            %dma_start3A_139 = arith.constant 0 : i32
            %dma_start3A_140 = arith.constant 0 : i32
            %dma_start3A_141 = tpu.memref_slice %arg14[%arg1, %dma_start3A_138, %dma_start3A_139, %dma_start3A_140] : memref<16x2x64x512xf32, #tpu.memory_space<vmem_shared>> -> memref<1x2x64x512xf32, #tpu.memory_space<vmem_shared>>
            %dma_start3A_142 = tpu.memref_squeeze %dma_start3A_141 : memref<1x2x64x512xf32, #tpu.memory_space<vmem_shared>> -> memref<2x64x512xf32, #tpu.memory_space<vmem_shared>>
            %dma_start3A_143 = arith.constant 16 : i32
            %dma_start3A_144 = arith.constant 0 : i32
            %dma_start3A_145 = tpu.memref_slice %dma_start3A_142[%dma_start3A_137, %dma_start3A_143, %dma_start3A_144] : memref<2x64x512xf32, #tpu.memory_space<vmem_shared>> -> memref<1x8x512xf32, #tpu.memory_space<vmem_shared>>
            %dma_start3A_146 = tpu.memref_squeeze %dma_start3A_145 : memref<1x8x512xf32, #tpu.memory_space<vmem_shared>> -> memref<8x512xf32, #tpu.memory_space<vmem_shared>>
            %dma_start3A_147 = arith.constant 16 : i32
            %dma_start3A_148 = tpu.memref_slice %arg10[%dma_start3A_147, %multiple_of3A] : memref<64x1000000xf32, #tpu.memory_space<hbm>> -> memref<8x512xf32, #tpu.memory_space<hbm>>
            tpu.enqueue_dma source(%dma_start3A_148 : memref<8x512xf32, #tpu.memory_space<hbm>>) target(%dma_start3A_146 : memref<8x512xf32, #tpu.memory_space<vmem_shared>>) target_semaphore(%arg20 : memref<!tpu.dma_semaphore, #tpu.memory_space<semaphore_mem>>)
            %dma_start3A_149 = arith.constant 1 : i32
            %dma_start3A_150 = arith.constant 0 : i32
            %dma_start3A_151 = arith.constant 0 : i32
            %dma_start3A_152 = arith.constant 0 : i32
            %dma_start3A_153 = tpu.memref_slice %arg14[%arg1, %dma_start3A_150, %dma_start3A_151, %dma_start3A_152] : memref<16x2x64x512xf32, #tpu.memory_space<vmem_shared>> -> memref<1x2x64x512xf32, #tpu.memory_space<vmem_shared>>
            %dma_start3A_154 = tpu.memref_squeeze %dma_start3A_153 : memref<1x2x64x512xf32, #tpu.memory_space<vmem_shared>> -> memref<2x64x512xf32, #tpu.memory_space<vmem_shared>>
            %dma_start3A_155 = arith.constant 24 : i32
            %dma_start3A_156 = arith.constant 0 : i32
            %dma_start3A_157 = tpu.memref_slice %dma_start3A_154[%dma_start3A_149, %dma_start3A_155, %dma_start3A_156] : memref<2x64x512xf32, #tpu.memory_space<vmem_shared>> -> memref<1x8x512xf32, #tpu.memory_space<vmem_shared>>
            %dma_start3A_158 = tpu.memref_squeeze %dma_start3A_157 : memref<1x8x512xf32, #tpu.memory_space<vmem_shared>> -> memref<8x512xf32, #tpu.memory_space<vmem_shared>>
            %dma_start3A_159 = arith.constant 24 : i32
            %dma_start3A_160 = tpu.memref_slice %arg10[%dma_start3A_159, %multiple_of3A] : memref<64x1000000xf32, #tpu.memory_space<hbm>> -> memref<8x512xf32, #tpu.memory_space<hbm>>
            tpu.enqueue_dma source(%dma_start3A_160 : memref<8x512xf32, #tpu.memory_space<hbm>>) target(%dma_start3A_158 : memref<8x512xf32, #tpu.memory_space<vmem_shared>>) target_semaphore(%arg20 : memref<!tpu.dma_semaphore, #tpu.memory_space<semaphore_mem>>)
            %dma_start3A_161 = arith.constant 1 : i32
            %dma_start3A_162 = arith.constant 0 : i32
            %dma_start3A_163 = arith.constant 0 : i32
            %dma_start3A_164 = arith.constant 0 : i32
            %dma_start3A_165 = tpu.memref_slice %arg14[%arg1, %dma_start3A_162, %dma_start3A_163, %dma_start3A_164] : memref<16x2x64x512xf32, #tpu.memory_space<vmem_shared>> -> memref<1x2x64x512xf32, #tpu.memory_space<vmem_shared>>
            %dma_start3A_166 = tpu.memref_squeeze %dma_start3A_165 : memref<1x2x64x512xf32, #tpu.memory_space<vmem_shared>> -> memref<2x64x512xf32, #tpu.memory_space<vmem_shared>>
            %dma_start3A_167 = arith.constant 32 : i32
            %dma_start3A_168 = arith.constant 0 : i32
            %dma_start3A_169 = tpu.memref_slice %dma_start3A_166[%dma_start3A_161, %dma_start3A_167, %dma_start3A_168] : memref<2x64x512xf32, #tpu.memory_space<vmem_shared>> -> memref<1x8x512xf32, #tpu.memory_space<vmem_shared>>
            %dma_start3A_170 = tpu.memref_squeeze %dma_start3A_169 : memref<1x8x512xf32, #tpu.memory_space<vmem_shared>> -> memref<8x512xf32, #tpu.memory_space<vmem_shared>>
            %dma_start3A_171 = arith.constant 32 : i32
            %dma_start3A_172 = tpu.memref_slice %arg10[%dma_start3A_171, %multiple_of3A] : memref<64x1000000xf32, #tpu.memory_space<hbm>> -> memref<8x512xf32, #tpu.memory_space<hbm>>
            tpu.enqueue_dma source(%dma_start3A_172 : memref<8x512xf32, #tpu.memory_space<hbm>>) target(%dma_start3A_170 : memref<8x512xf32, #tpu.memory_space<vmem_shared>>) target_semaphore(%arg20 : memref<!tpu.dma_semaphore, #tpu.memory_space<semaphore_mem>>)
            %dma_start3A_173 = arith.constant 1 : i32
            %dma_start3A_174 = arith.constant 0 : i32
            %dma_start3A_175 = arith.constant 0 : i32
            %dma_start3A_176 = arith.constant 0 : i32
            %dma_start3A_177 = tpu.memref_slice %arg14[%arg1, %dma_start3A_174, %dma_start3A_175, %dma_start3A_176] : memref<16x2x64x512xf32, #tpu.memory_space<vmem_shared>> -> memref<1x2x64x512xf32, #tpu.memory_space<vmem_shared>>
            %dma_start3A_178 = tpu.memref_squeeze %dma_start3A_177 : memref<1x2x64x512xf32, #tpu.memory_space<vmem_shared>> -> memref<2x64x512xf32, #tpu.memory_space<vmem_shared>>
            %dma_start3A_179 = arith.constant 40 : i32
            %dma_start3A_180 = arith.constant 0 : i32
            %dma_start3A_181 = tpu.memref_slice %dma_start3A_178[%dma_start3A_173, %dma_start3A_179, %dma_start3A_180] : memref<2x64x512xf32, #tpu.memory_space<vmem_shared>> -> memref<1x8x512xf32, #tpu.memory_space<vmem_shared>>
            %dma_start3A_182 = tpu.memref_squeeze %dma_start3A_181 : memref<1x8x512xf32, #tpu.memory_space<vmem_shared>> -> memref<8x512xf32, #tpu.memory_space<vmem_shared>>
            %dma_start3A_183 = arith.constant 40 : i32
            %dma_start3A_184 = tpu.memref_slice %arg10[%dma_start3A_183, %multiple_of3A] : memref<64x1000000xf32, #tpu.memory_space<hbm>> -> memref<8x512xf32, #tpu.memory_space<hbm>>
            tpu.enqueue_dma source(%dma_start3A_184 : memref<8x512xf32, #tpu.memory_space<hbm>>) target(%dma_start3A_182 : memref<8x512xf32, #tpu.memory_space<vmem_shared>>) target_semaphore(%arg20 : memref<!tpu.dma_semaphore, #tpu.memory_space<semaphore_mem>>)
            %dma_start3A_185 = arith.constant 1 : i32
            %dma_start3A_186 = arith.constant 0 : i32
            %dma_start3A_187 = arith.constant 0 : i32
            %dma_start3A_188 = arith.constant 0 : i32
            %dma_start3A_189 = tpu.memref_slice %arg14[%arg1, %dma_start3A_186, %dma_start3A_187, %dma_start3A_188] : memref<16x2x64x512xf32, #tpu.memory_space<vmem_shared>> -> memref<1x2x64x512xf32, #tpu.memory_space<vmem_shared>>
            %dma_start3A_190 = tpu.memref_squeeze %dma_start3A_189 : memref<1x2x64x512xf32, #tpu.memory_space<vmem_shared>> -> memref<2x64x512xf32, #tpu.memory_space<vmem_shared>>
            %dma_start3A_191 = arith.constant 48 : i32
            %dma_start3A_192 = arith.constant 0 : i32
            %dma_start3A_193 = tpu.memref_slice %dma_start3A_190[%dma_start3A_185, %dma_start3A_191, %dma_start3A_192] : memref<2x64x512xf32, #tpu.memory_space<vmem_shared>> -> memref<1x8x512xf32, #tpu.memory_space<vmem_shared>>
            %dma_start3A_194 = tpu.memref_squeeze %dma_start3A_193 : memref<1x8x512xf32, #tpu.memory_space<vmem_shared>> -> memref<8x512xf32, #tpu.memory_space<vmem_shared>>
            %dma_start3A_195 = arith.constant 48 : i32
            %dma_start3A_196 = tpu.memref_slice %arg10[%dma_start3A_195, %multiple_of3A] : memref<64x1000000xf32, #tpu.memory_space<hbm>> -> memref<8x512xf32, #tpu.memory_space<hbm>>
            tpu.enqueue_dma source(%dma_start3A_196 : memref<8x512xf32, #tpu.memory_space<hbm>>) target(%dma_start3A_194 : memref<8x512xf32, #tpu.memory_space<vmem_shared>>) target_semaphore(%arg20 : memref<!tpu.dma_semaphore, #tpu.memory_space<semaphore_mem>>)
            %dma_start3A_197 = arith.constant 1 : i32
            %dma_start3A_198 = arith.constant 0 : i32
            %dma_start3A_199 = arith.constant 0 : i32
            %dma_start3A_200 = arith.constant 0 : i32
            %dma_start3A_201 = tpu.memref_slice %arg14[%arg1, %dma_start3A_198, %dma_start3A_199, %dma_start3A_200] : memref<16x2x64x512xf32, #tpu.memory_space<vmem_shared>> -> memref<1x2x64x512xf32, #tpu.memory_space<vmem_shared>>
            %dma_start3A_202 = tpu.memref_squeeze %dma_start3A_201 : memref<1x2x64x512xf32, #tpu.memory_space<vmem_shared>> -> memref<2x64x512xf32, #tpu.memory_space<vmem_shared>>
            %dma_start3A_203 = arith.constant 56 : i32
            %dma_start3A_204 = arith.constant 0 : i32
            %dma_start3A_205 = tpu.memref_slice %dma_start3A_202[%dma_start3A_197, %dma_start3A_203, %dma_start3A_204] : memref<2x64x512xf32, #tpu.memory_space<vmem_shared>> -> memref<1x8x512xf32, #tpu.memory_space<vmem_shared>>
            %dma_start3A_206 = tpu.memref_squeeze %dma_start3A_205 : memref<1x8x512xf32, #tpu.memory_space<vmem_shared>> -> memref<8x512xf32, #tpu.memory_space<vmem_shared>>
            %dma_start3A_207 = arith.constant 56 : i32
            %dma_start3A_208 = tpu.memref_slice %arg10[%dma_start3A_207, %multiple_of3A] : memref<64x1000000xf32, #tpu.memory_space<hbm>> -> memref<8x512xf32, #tpu.memory_space<hbm>>
            tpu.enqueue_dma source(%dma_start3A_208 : memref<8x512xf32, #tpu.memory_space<hbm>>) target(%dma_start3A_206 : memref<8x512xf32, #tpu.memory_space<vmem_shared>>) target_semaphore(%arg20 : memref<!tpu.dma_semaphore, #tpu.memory_space<semaphore_mem>>)
          } else {
          }
          %convert_element_type3A_110 = arith.extui %ge3A_104 : i1 to i32
          %cond3A_111 = arith.constant 0 : i32
          %cond3A_112 = arith.cmpi ne, %convert_element_type3A_110, %cond3A_111 : i32
          scf.if %cond3A_112 {
            %dma_start3A = arith.constant 1 : i32
            %dma_start3A_113 = arith.constant 0 : i32
            %dma_start3A_114 = arith.constant 0 : i32
            %dma_start3A_115 = arith.constant 0 : i32
            %dma_start3A_116 = tpu.memref_slice %arg14[%arg1, %dma_start3A_113, %dma_start3A_114, %dma_start3A_115] : memref<16x2x64x512xf32, #tpu.memory_space<vmem_shared>> -> memref<1x2x64x512xf32, #tpu.memory_space<vmem_shared>>
            %dma_start3A_117 = tpu.memref_squeeze %dma_start3A_116 : memref<1x2x64x512xf32, #tpu.memory_space<vmem_shared>> -> memref<2x64x512xf32, #tpu.memory_space<vmem_shared>>
            %dma_start3A_118 = arith.constant 0 : i32
            %dma_start3A_119 = arith.constant 0 : i32
            %dma_start3A_120 = tpu.memref_slice %dma_start3A_117[%dma_start3A, %dma_start3A_118, %dma_start3A_119] : memref<2x64x512xf32, #tpu.memory_space<vmem_shared>> -> memref<1x64x512xf32, #tpu.memory_space<vmem_shared>>
            %dma_start3A_121 = tpu.memref_squeeze %dma_start3A_120 : memref<1x64x512xf32, #tpu.memory_space<vmem_shared>> -> memref<64x512xf32, #tpu.memory_space<vmem_shared>>
            tpu.enqueue_dma source(%arg11 : memref<64x512xf32, #tpu.memory_space<hbm>>) target(%dma_start3A_121 : memref<64x512xf32, #tpu.memory_space<vmem_shared>>) target_semaphore(%arg20 : memref<!tpu.dma_semaphore, #tpu.memory_space<semaphore_mem>>)
          } else {
          }
        } else {
        }
        %eq3A_91 = arith.constant 1 : i32
        %eq3A_92 = arith.cmpi eq, %rem3A_44, %eq3A_91 : i32
        %convert_element_type3A_93 = arith.extui %eq3A_92 : i1 to i32
        %cond3A_94 = arith.constant 0 : i32
        %cond3A_95 = arith.cmpi ne, %convert_element_type3A_93, %cond3A_94 : i32
        scf.if %cond3A_95 {
          %add3A_96 = arith.constant 1 : i32
          %add3A_97 = arith.addi %scan3A_42, %add3A_96 : i32
          %mul3A_98 = arith.constant 62 : i32
          %mul3A_99 = arith.muli %add3A, %mul3A_98 : i32
          %add3A_100 = arith.addi %mul3A_99, %add3A_97 : i32
          %mul3A_101 = arith.constant 512 : i32
          %mul3A_102 = arith.muli %add3A_100, %mul3A_101 : i32
          %ge3A_103 = arith.constant 999936 : i32
          %ge3A_104 = arith.cmpi sge, %mul3A_102, %ge3A_103 : i32
          %not3A_105 = arith.constant true
          %not3A_106 = arith.xori %ge3A_104, %not3A_105 : i1
          %convert_element_type3A_107 = arith.extui %not3A_106 : i1 to i32
          %cond3A_108 = arith.constant 0 : i32
          %cond3A_109 = arith.cmpi ne, %convert_element_type3A_107, %cond3A_108 : i32
          scf.if %cond3A_109 {
            %min3A = arith.constant 999488 : i32
            %min3A_113 = arith.minsi %mul3A_102, %min3A : i32
            %multiple_of3A = tpu.assume_multiple %min3A_113, 128 : i32
            %dma_start3A = arith.constant 0 : i32
            %dma_start3A_114 = arith.constant 0 : i32
            %dma_start3A_115 = arith.constant 0 : i32
            %dma_start3A_116 = arith.constant 0 : i32
            %dma_start3A_117 = tpu.memref_slice %arg14[%arg1, %dma_start3A_114, %dma_start3A_115, %dma_start3A_116] : memref<16x2x64x512xf32, #tpu.memory_space<vmem_shared>> -> memref<1x2x64x512xf32, #tpu.memory_space<vmem_shared>>
            %dma_start3A_118 = tpu.memref_squeeze %dma_start3A_117 : memref<1x2x64x512xf32, #tpu.memory_space<vmem_shared>> -> memref<2x64x512xf32, #tpu.memory_space<vmem_shared>>
            %dma_start3A_119 = arith.constant 0 : i32
            %dma_start3A_120 = arith.constant 0 : i32
            %dma_start3A_121 = tpu.memref_slice %dma_start3A_118[%dma_start3A, %dma_start3A_119, %dma_start3A_120] : memref<2x64x512xf32, #tpu.memory_space<vmem_shared>> -> memref<1x8x512xf32, #tpu.memory_space<vmem_shared>>
            %dma_start3A_122 = tpu.memref_squeeze %dma_start3A_121 : memref<1x8x512xf32, #tpu.memory_space<vmem_shared>> -> memref<8x512xf32, #tpu.memory_space<vmem_shared>>
            %dma_start3A_123 = arith.constant 0 : i32
            %dma_start3A_124 = tpu.memref_slice %arg10[%dma_start3A_123, %multiple_of3A] : memref<64x1000000xf32, #tpu.memory_space<hbm>> -> memref<8x512xf32, #tpu.memory_space<hbm>>
            tpu.enqueue_dma source(%dma_start3A_124 : memref<8x512xf32, #tpu.memory_space<hbm>>) target(%dma_start3A_122 : memref<8x512xf32, #tpu.memory_space<vmem_shared>>) target_semaphore(%arg19 : memref<!tpu.dma_semaphore, #tpu.memory_space<semaphore_mem>>)
            %dma_start3A_125 = arith.constant 0 : i32
            %dma_start3A_126 = arith.constant 0 : i32
            %dma_start3A_127 = arith.constant 0 : i32
            %dma_start3A_128 = arith.constant 0 : i32
            %dma_start3A_129 = tpu.memref_slice %arg14[%arg1, %dma_start3A_126, %dma_start3A_127, %dma_start3A_128] : memref<16x2x64x512xf32, #tpu.memory_space<vmem_shared>> -> memref<1x2x64x512xf32, #tpu.memory_space<vmem_shared>>
            %dma_start3A_130 = tpu.memref_squeeze %dma_start3A_129 : memref<1x2x64x512xf32, #tpu.memory_space<vmem_shared>> -> memref<2x64x512xf32, #tpu.memory_space<vmem_shared>>
            %dma_start3A_131 = arith.constant 8 : i32
            %dma_start3A_132 = arith.constant 0 : i32
            %dma_start3A_133 = tpu.memref_slice %dma_start3A_130[%dma_start3A_125, %dma_start3A_131, %dma_start3A_132] : memref<2x64x512xf32, #tpu.memory_space<vmem_shared>> -> memref<1x8x512xf32, #tpu.memory_space<vmem_shared>>
            %dma_start3A_134 = tpu.memref_squeeze %dma_start3A_133 : memref<1x8x512xf32, #tpu.memory_space<vmem_shared>> -> memref<8x512xf32, #tpu.memory_space<vmem_shared>>
            %dma_start3A_135 = arith.constant 8 : i32
            %dma_start3A_136 = tpu.memref_slice %arg10[%dma_start3A_135, %multiple_of3A] : memref<64x1000000xf32, #tpu.memory_space<hbm>> -> memref<8x512xf32, #tpu.memory_space<hbm>>
            tpu.enqueue_dma source(%dma_start3A_136 : memref<8x512xf32, #tpu.memory_space<hbm>>) target(%dma_start3A_134 : memref<8x512xf32, #tpu.memory_space<vmem_shared>>) target_semaphore(%arg19 : memref<!tpu.dma_semaphore, #tpu.memory_space<semaphore_mem>>)
            %dma_start3A_137 = arith.constant 0 : i32
            %dma_start3A_138 = arith.constant 0 : i32
            %dma_start3A_139 = arith.constant 0 : i32
            %dma_start3A_140 = arith.constant 0 : i32
            %dma_start3A_141 = tpu.memref_slice %arg14[%arg1, %dma_start3A_138, %dma_start3A_139, %dma_start3A_140] : memref<16x2x64x512xf32, #tpu.memory_space<vmem_shared>> -> memref<1x2x64x512xf32, #tpu.memory_space<vmem_shared>>
            %dma_start3A_142 = tpu.memref_squeeze %dma_start3A_141 : memref<1x2x64x512xf32, #tpu.memory_space<vmem_shared>> -> memref<2x64x512xf32, #tpu.memory_space<vmem_shared>>
            %dma_start3A_143 = arith.constant 16 : i32
            %dma_start3A_144 = arith.constant 0 : i32
            %dma_start3A_145 = tpu.memref_slice %dma_start3A_142[%dma_start3A_137, %dma_start3A_143, %dma_start3A_144] : memref<2x64x512xf32, #tpu.memory_space<vmem_shared>> -> memref<1x8x512xf32, #tpu.memory_space<vmem_shared>>
            %dma_start3A_146 = tpu.memref_squeeze %dma_start3A_145 : memref<1x8x512xf32, #tpu.memory_space<vmem_shared>> -> memref<8x512xf32, #tpu.memory_space<vmem_shared>>
            %dma_start3A_147 = arith.constant 16 : i32
            %dma_start3A_148 = tpu.memref_slice %arg10[%dma_start3A_147, %multiple_of3A] : memref<64x1000000xf32, #tpu.memory_space<hbm>> -> memref<8x512xf32, #tpu.memory_space<hbm>>
            tpu.enqueue_dma source(%dma_start3A_148 : memref<8x512xf32, #tpu.memory_space<hbm>>) target(%dma_start3A_146 : memref<8x512xf32, #tpu.memory_space<vmem_shared>>) target_semaphore(%arg19 : memref<!tpu.dma_semaphore, #tpu.memory_space<semaphore_mem>>)
            %dma_start3A_149 = arith.constant 0 : i32
            %dma_start3A_150 = arith.constant 0 : i32
            %dma_start3A_151 = arith.constant 0 : i32
            %dma_start3A_152 = arith.constant 0 : i32
            %dma_start3A_153 = tpu.memref_slice %arg14[%arg1, %dma_start3A_150, %dma_start3A_151, %dma_start3A_152] : memref<16x2x64x512xf32, #tpu.memory_space<vmem_shared>> -> memref<1x2x64x512xf32, #tpu.memory_space<vmem_shared>>
            %dma_start3A_154 = tpu.memref_squeeze %dma_start3A_153 : memref<1x2x64x512xf32, #tpu.memory_space<vmem_shared>> -> memref<2x64x512xf32, #tpu.memory_space<vmem_shared>>
            %dma_start3A_155 = arith.constant 24 : i32
            %dma_start3A_156 = arith.constant 0 : i32
            %dma_start3A_157 = tpu.memref_slice %dma_start3A_154[%dma_start3A_149, %dma_start3A_155, %dma_start3A_156] : memref<2x64x512xf32, #tpu.memory_space<vmem_shared>> -> memref<1x8x512xf32, #tpu.memory_space<vmem_shared>>
            %dma_start3A_158 = tpu.memref_squeeze %dma_start3A_157 : memref<1x8x512xf32, #tpu.memory_space<vmem_shared>> -> memref<8x512xf32, #tpu.memory_space<vmem_shared>>
            %dma_start3A_159 = arith.constant 24 : i32
            %dma_start3A_160 = tpu.memref_slice %arg10[%dma_start3A_159, %multiple_of3A] : memref<64x1000000xf32, #tpu.memory_space<hbm>> -> memref<8x512xf32, #tpu.memory_space<hbm>>
            tpu.enqueue_dma source(%dma_start3A_160 : memref<8x512xf32, #tpu.memory_space<hbm>>) target(%dma_start3A_158 : memref<8x512xf32, #tpu.memory_space<vmem_shared>>) target_semaphore(%arg19 : memref<!tpu.dma_semaphore, #tpu.memory_space<semaphore_mem>>)
            %dma_start3A_161 = arith.constant 0 : i32
            %dma_start3A_162 = arith.constant 0 : i32
            %dma_start3A_163 = arith.constant 0 : i32
            %dma_start3A_164 = arith.constant 0 : i32
            %dma_start3A_165 = tpu.memref_slice %arg14[%arg1, %dma_start3A_162, %dma_start3A_163, %dma_start3A_164] : memref<16x2x64x512xf32, #tpu.memory_space<vmem_shared>> -> memref<1x2x64x512xf32, #tpu.memory_space<vmem_shared>>
            %dma_start3A_166 = tpu.memref_squeeze %dma_start3A_165 : memref<1x2x64x512xf32, #tpu.memory_space<vmem_shared>> -> memref<2x64x512xf32, #tpu.memory_space<vmem_shared>>
            %dma_start3A_167 = arith.constant 32 : i32
            %dma_start3A_168 = arith.constant 0 : i32
            %dma_start3A_169 = tpu.memref_slice %dma_start3A_166[%dma_start3A_161, %dma_start3A_167, %dma_start3A_168] : memref<2x64x512xf32, #tpu.memory_space<vmem_shared>> -> memref<1x8x512xf32, #tpu.memory_space<vmem_shared>>
            %dma_start3A_170 = tpu.memref_squeeze %dma_start3A_169 : memref<1x8x512xf32, #tpu.memory_space<vmem_shared>> -> memref<8x512xf32, #tpu.memory_space<vmem_shared>>
            %dma_start3A_171 = arith.constant 32 : i32
            %dma_start3A_172 = tpu.memref_slice %arg10[%dma_start3A_171, %multiple_of3A] : memref<64x1000000xf32, #tpu.memory_space<hbm>> -> memref<8x512xf32, #tpu.memory_space<hbm>>
            tpu.enqueue_dma source(%dma_start3A_172 : memref<8x512xf32, #tpu.memory_space<hbm>>) target(%dma_start3A_170 : memref<8x512xf32, #tpu.memory_space<vmem_shared>>) target_semaphore(%arg19 : memref<!tpu.dma_semaphore, #tpu.memory_space<semaphore_mem>>)
            %dma_start3A_173 = arith.constant 0 : i32
            %dma_start3A_174 = arith.constant 0 : i32
            %dma_start3A_175 = arith.constant 0 : i32
            %dma_start3A_176 = arith.constant 0 : i32
            %dma_start3A_177 = tpu.memref_slice %arg14[%arg1, %dma_start3A_174, %dma_start3A_175, %dma_start3A_176] : memref<16x2x64x512xf32, #tpu.memory_space<vmem_shared>> -> memref<1x2x64x512xf32, #tpu.memory_space<vmem_shared>>
            %dma_start3A_178 = tpu.memref_squeeze %dma_start3A_177 : memref<1x2x64x512xf32, #tpu.memory_space<vmem_shared>> -> memref<2x64x512xf32, #tpu.memory_space<vmem_shared>>
            %dma_start3A_179 = arith.constant 40 : i32
            %dma_start3A_180 = arith.constant 0 : i32
            %dma_start3A_181 = tpu.memref_slice %dma_start3A_178[%dma_start3A_173, %dma_start3A_179, %dma_start3A_180] : memref<2x64x512xf32, #tpu.memory_space<vmem_shared>> -> memref<1x8x512xf32, #tpu.memory_space<vmem_shared>>
            %dma_start3A_182 = tpu.memref_squeeze %dma_start3A_181 : memref<1x8x512xf32, #tpu.memory_space<vmem_shared>> -> memref<8x512xf32, #tpu.memory_space<vmem_shared>>
            %dma_start3A_183 = arith.constant 40 : i32
            %dma_start3A_184 = tpu.memref_slice %arg10[%dma_start3A_183, %multiple_of3A] : memref<64x1000000xf32, #tpu.memory_space<hbm>> -> memref<8x512xf32, #tpu.memory_space<hbm>>
            tpu.enqueue_dma source(%dma_start3A_184 : memref<8x512xf32, #tpu.memory_space<hbm>>) target(%dma_start3A_182 : memref<8x512xf32, #tpu.memory_space<vmem_shared>>) target_semaphore(%arg19 : memref<!tpu.dma_semaphore, #tpu.memory_space<semaphore_mem>>)
            %dma_start3A_185 = arith.constant 0 : i32
            %dma_start3A_186 = arith.constant 0 : i32
            %dma_start3A_187 = arith.constant 0 : i32
            %dma_start3A_188 = arith.constant 0 : i32
            %dma_start3A_189 = tpu.memref_slice %arg14[%arg1, %dma_start3A_186, %dma_start3A_187, %dma_start3A_188] : memref<16x2x64x512xf32, #tpu.memory_space<vmem_shared>> -> memref<1x2x64x512xf32, #tpu.memory_space<vmem_shared>>
            %dma_start3A_190 = tpu.memref_squeeze %dma_start3A_189 : memref<1x2x64x512xf32, #tpu.memory_space<vmem_shared>> -> memref<2x64x512xf32, #tpu.memory_space<vmem_shared>>
            %dma_start3A_191 = arith.constant 48 : i32
            %dma_start3A_192 = arith.constant 0 : i32
            %dma_start3A_193 = tpu.memref_slice %dma_start3A_190[%dma_start3A_185, %dma_start3A_191, %dma_start3A_192] : memref<2x64x512xf32, #tpu.memory_space<vmem_shared>> -> memref<1x8x512xf32, #tpu.memory_space<vmem_shared>>
            %dma_start3A_194 = tpu.memref_squeeze %dma_start3A_193 : memref<1x8x512xf32, #tpu.memory_space<vmem_shared>> -> memref<8x512xf32, #tpu.memory_space<vmem_shared>>
            %dma_start3A_195 = arith.constant 48 : i32
            %dma_start3A_196 = tpu.memref_slice %arg10[%dma_start3A_195, %multiple_of3A] : memref<64x1000000xf32, #tpu.memory_space<hbm>> -> memref<8x512xf32, #tpu.memory_space<hbm>>
            tpu.enqueue_dma source(%dma_start3A_196 : memref<8x512xf32, #tpu.memory_space<hbm>>) target(%dma_start3A_194 : memref<8x512xf32, #tpu.memory_space<vmem_shared>>) target_semaphore(%arg19 : memref<!tpu.dma_semaphore, #tpu.memory_space<semaphore_mem>>)
            %dma_start3A_197 = arith.constant 0 : i32
            %dma_start3A_198 = arith.constant 0 : i32
            %dma_start3A_199 = arith.constant 0 : i32
            %dma_start3A_200 = arith.constant 0 : i32
            %dma_start3A_201 = tpu.memref_slice %arg14[%arg1, %dma_start3A_198, %dma_start3A_199, %dma_start3A_200] : memref<16x2x64x512xf32, #tpu.memory_space<vmem_shared>> -> memref<1x2x64x512xf32, #tpu.memory_space<vmem_shared>>
            %dma_start3A_202 = tpu.memref_squeeze %dma_start3A_201 : memref<1x2x64x512xf32, #tpu.memory_space<vmem_shared>> -> memref<2x64x512xf32, #tpu.memory_space<vmem_shared>>
            %dma_start3A_203 = arith.constant 56 : i32
            %dma_start3A_204 = arith.constant 0 : i32
            %dma_start3A_205 = tpu.memref_slice %dma_start3A_202[%dma_start3A_197, %dma_start3A_203, %dma_start3A_204] : memref<2x64x512xf32, #tpu.memory_space<vmem_shared>> -> memref<1x8x512xf32, #tpu.memory_space<vmem_shared>>
            %dma_start3A_206 = tpu.memref_squeeze %dma_start3A_205 : memref<1x8x512xf32, #tpu.memory_space<vmem_shared>> -> memref<8x512xf32, #tpu.memory_space<vmem_shared>>
            %dma_start3A_207 = arith.constant 56 : i32
            %dma_start3A_208 = tpu.memref_slice %arg10[%dma_start3A_207, %multiple_of3A] : memref<64x1000000xf32, #tpu.memory_space<hbm>> -> memref<8x512xf32, #tpu.memory_space<hbm>>
            tpu.enqueue_dma source(%dma_start3A_208 : memref<8x512xf32, #tpu.memory_space<hbm>>) target(%dma_start3A_206 : memref<8x512xf32, #tpu.memory_space<vmem_shared>>) target_semaphore(%arg19 : memref<!tpu.dma_semaphore, #tpu.memory_space<semaphore_mem>>)
          } else {
          }
          %convert_element_type3A_110 = arith.extui %ge3A_104 : i1 to i32
          %cond3A_111 = arith.constant 0 : i32
          %cond3A_112 = arith.cmpi ne, %convert_element_type3A_110, %cond3A_111 : i32
          scf.if %cond3A_112 {
            %dma_start3A = arith.constant 0 : i32
            %dma_start3A_113 = arith.constant 0 : i32
            %dma_start3A_114 = arith.constant 0 : i32
            %dma_start3A_115 = arith.constant 0 : i32
            %dma_start3A_116 = tpu.memref_slice %arg14[%arg1, %dma_start3A_113, %dma_start3A_114, %dma_start3A_115] : memref<16x2x64x512xf32, #tpu.memory_space<vmem_shared>> -> memref<1x2x64x512xf32, #tpu.memory_space<vmem_shared>>
            %dma_start3A_117 = tpu.memref_squeeze %dma_start3A_116 : memref<1x2x64x512xf32, #tpu.memory_space<vmem_shared>> -> memref<2x64x512xf32, #tpu.memory_space<vmem_shared>>
            %dma_start3A_118 = arith.constant 0 : i32
            %dma_start3A_119 = arith.constant 0 : i32
            %dma_start3A_120 = tpu.memref_slice %dma_start3A_117[%dma_start3A, %dma_start3A_118, %dma_start3A_119] : memref<2x64x512xf32, #tpu.memory_space<vmem_shared>> -> memref<1x64x512xf32, #tpu.memory_space<vmem_shared>>
            %dma_start3A_121 = tpu.memref_squeeze %dma_start3A_120 : memref<1x64x512xf32, #tpu.memory_space<vmem_shared>> -> memref<64x512xf32, #tpu.memory_space<vmem_shared>>
            tpu.enqueue_dma source(%arg11 : memref<64x512xf32, #tpu.memory_space<hbm>>) target(%dma_start3A_121 : memref<64x512xf32, #tpu.memory_space<vmem_shared>>) target_semaphore(%arg19 : memref<!tpu.dma_semaphore, #tpu.memory_space<semaphore_mem>>)
          } else {
          }
        } else {
        }
      } else {
      }
      %eq3A = arith.constant 0 : i32
      %eq3A_51 = arith.cmpi eq, %rem3A_44, %eq3A : i32
      %convert_element_type3A_52 = arith.extui %eq3A_51 : i1 to i32
      %cond3A_53 = arith.constant 0 : i32
      %cond3A_54 = arith.cmpi ne, %convert_element_type3A_52, %cond3A_53 : i32
      scf.if %cond3A_54 {
        %dma_wait3A = arith.constant 0 : i32
        %dma_wait3A_86 = arith.constant 0 : i32
        %dma_wait3A_87 = arith.constant 0 : i32
        %dma_wait3A_88 = arith.constant 0 : i32
        %dma_wait3A_89 = tpu.memref_slice %arg14[%arg1, %dma_wait3A_86, %dma_wait3A_87, %dma_wait3A_88] : memref<16x2x64x512xf32, #tpu.memory_space<vmem_shared>> -> memref<1x2x64x512xf32, #tpu.memory_space<vmem_shared>>
        %dma_wait3A_90 = tpu.memref_squeeze %dma_wait3A_89 : memref<1x2x64x512xf32, #tpu.memory_space<vmem_shared>> -> memref<2x64x512xf32, #tpu.memory_space<vmem_shared>>
        %dma_wait3A_91 = arith.constant 0 : i32
        %dma_wait3A_92 = arith.constant 0 : i32
        %dma_wait3A_93 = tpu.memref_slice %dma_wait3A_90[%dma_wait3A, %dma_wait3A_91, %dma_wait3A_92] : memref<2x64x512xf32, #tpu.memory_space<vmem_shared>> -> memref<1x64x512xf32, #tpu.memory_space<vmem_shared>>
        %dma_wait3A_94 = tpu.memref_squeeze %dma_wait3A_93 : memref<1x64x512xf32, #tpu.memory_space<vmem_shared>> -> memref<64x512xf32, #tpu.memory_space<vmem_shared>>
        %dma_wait3A_95 = arith.constant 0 : i32
        %dma_wait3A_96 = arith.constant 0 : i32
        %dma_wait3A_97 = tpu.memref_slice %arg10[%dma_wait3A_95, %dma_wait3A_96] : memref<64x1000000xf32, #tpu.memory_space<hbm>> -> memref<64x512xf32, #tpu.memory_space<hbm>>
        tpu.wait_dma2 semaphore(%arg19 : memref<!tpu.dma_semaphore, #tpu.memory_space<semaphore_mem>>) src(%dma_wait3A_97 : memref<64x512xf32, #tpu.memory_space<hbm>>) dst(%dma_wait3A_94 : memref<64x512xf32, #tpu.memory_space<vmem_shared>>)
      } else {
      }
      %eq3A_55 = arith.constant 1 : i32
      %eq3A_56 = arith.cmpi eq, %rem3A_44, %eq3A_55 : i32
      %convert_element_type3A_57 = arith.extui %eq3A_56 : i1 to i32
      %cond3A_58 = arith.constant 0 : i32
      %cond3A_59 = arith.cmpi ne, %convert_element_type3A_57, %cond3A_58 : i32
      scf.if %cond3A_59 {
        %dma_wait3A = arith.constant 1 : i32
        %dma_wait3A_86 = arith.constant 0 : i32
        %dma_wait3A_87 = arith.constant 0 : i32
        %dma_wait3A_88 = arith.constant 0 : i32
        %dma_wait3A_89 = tpu.memref_slice %arg14[%arg1, %dma_wait3A_86, %dma_wait3A_87, %dma_wait3A_88] : memref<16x2x64x512xf32, #tpu.memory_space<vmem_shared>> -> memref<1x2x64x512xf32, #tpu.memory_space<vmem_shared>>
        %dma_wait3A_90 = tpu.memref_squeeze %dma_wait3A_89 : memref<1x2x64x512xf32, #tpu.memory_space<vmem_shared>> -> memref<2x64x512xf32, #tpu.memory_space<vmem_shared>>
        %dma_wait3A_91 = arith.constant 0 : i32
        %dma_wait3A_92 = arith.constant 0 : i32
        %dma_wait3A_93 = tpu.memref_slice %dma_wait3A_90[%dma_wait3A, %dma_wait3A_91, %dma_wait3A_92] : memref<2x64x512xf32, #tpu.memory_space<vmem_shared>> -> memref<1x64x512xf32, #tpu.memory_space<vmem_shared>>
        %dma_wait3A_94 = tpu.memref_squeeze %dma_wait3A_93 : memref<1x64x512xf32, #tpu.memory_space<vmem_shared>> -> memref<64x512xf32, #tpu.memory_space<vmem_shared>>
        %dma_wait3A_95 = arith.constant 0 : i32
        %dma_wait3A_96 = arith.constant 0 : i32
        %dma_wait3A_97 = tpu.memref_slice %arg10[%dma_wait3A_95, %dma_wait3A_96] : memref<64x1000000xf32, #tpu.memory_space<hbm>> -> memref<64x512xf32, #tpu.memory_space<hbm>>
        tpu.wait_dma2 semaphore(%arg20 : memref<!tpu.dma_semaphore, #tpu.memory_space<semaphore_mem>>) src(%dma_wait3A_97 : memref<64x512xf32, #tpu.memory_space<hbm>>) dst(%dma_wait3A_94 : memref<64x512xf32, #tpu.memory_space<vmem_shared>>)
      } else {
      }
      %mul3A_60 = arith.constant 62 : i32
      %mul3A_61 = arith.muli %add3A, %mul3A_60 : i32
      %add3A_62 = arith.addi %mul3A_61, %scan3A_42 : i32
      %broadcast_in_dim3A = vector.broadcast %add3A_62 : i32 to vector<16xi32>
      %gather3A = tpu.vector_load_idx %arg17[%broadcast_in_dim3A] : memref<2048xi32, #tpu.memory_space<vmem>>[vector<16xi32>], vector<16xi32>,
      %reduce_max3A = arith.constant true
      %reduce_max3A_63 = vector.broadcast %reduce_max3A : i1 to vector<16xi1>
      %reduce_max3A_64 = arith.constant -2147483648 : i32
      %reduce_max3A_65 = vector.broadcast %reduce_max3A_64 : i32 to vector<16xi32>
      %reduce_max3A_66 = arith.xori %gather3A, %reduce_max3A_65 : vector<16xi32>
      %reduce_max3A_67 = tpu.scan <max>, %reduce_max3A_66 masked %reduce_max3A_63 : vector<16xi32>, vector<16xi1> -> vector<16xi32>
      %reduce_max3A_68 = arith.xori %reduce_max3A_67, %reduce_max3A_65 : vector<16xi32>
      %reduce_max3A_69 = vector.extract %reduce_max3A_68[15] : i32 from vector<16xi32>
      %add3A_70 = arith.constant 1 : i32
      %add3A_71 = arith.addi %add3A_62, %add3A_70 : i32
      %broadcast_in_dim3A_72 = vector.broadcast %add3A_71 : i32 to vector<16xi32>
      %gather3A_73 = tpu.vector_load_idx %arg17[%broadcast_in_dim3A_72] : memref<2048xi32, #tpu.memory_space<vmem>>[vector<16xi32>], vector<16xi32>,
      %reduce_max3A_74 = arith.constant true
      %reduce_max3A_75 = vector.broadcast %reduce_max3A_74 : i1 to vector<16xi1>
      %reduce_max3A_76 = arith.constant -2147483648 : i32
      %reduce_max3A_77 = vector.broadcast %reduce_max3A_76 : i32 to vector<16xi32>
      %reduce_max3A_78 = arith.xori %gather3A_73, %reduce_max3A_77 : vector<16xi32>
      %reduce_max3A_79 = tpu.scan <max>, %reduce_max3A_78 masked %reduce_max3A_75 : vector<16xi32>, vector<16xi1> -> vector<16xi32>
      %reduce_max3A_80 = arith.xori %reduce_max3A_79, %reduce_max3A_77 : vector<16xi32>
      %reduce_max3A_81 = vector.extract %reduce_max3A_80[15] : i32 from vector<16xi32>
      %gt3A = arith.cmpi sgt, %reduce_max3A_81, %reduce_max3A_69 : i32
      %convert_element_type3A_82 = arith.extui %gt3A : i1 to i32
      %cond3A_83 = arith.constant 0 : i32
      %cond3A_84 = arith.cmpi ne, %convert_element_type3A_82, %cond3A_83 : i32
      scf.if %cond3A_84 {
        %mul3A_86 = arith.constant 512 : i32
        %mul3A_87 = arith.muli %add3A_62, %mul3A_86 : i32
        %ge3A_88 = arith.constant 999936 : i32
        %ge3A_89 = arith.cmpi sge, %mul3A_87, %ge3A_88 : i32
        %jit3A = arith.constant 999488 : i32
        %select_n3A = arith.select %ge3A_89, %jit3A, %mul3A_87 : i32
        %div3A = arith.constant 16 : i32
        %div3A_90 = arith.divsi %reduce_max3A_69, %div3A : i32
        %add3A_91 = arith.constant 15 : i32
        %add3A_92 = arith.addi %reduce_max3A_81, %add3A_91 : i32
        %div3A_93 = arith.constant 16 : i32
        %div3A_94 = arith.divsi %add3A_92, %div3A_93 : i32
        %while3A = arith.constant 0 : i32
        %while3A_95 = arith.subi %div3A_94, %div3A_90 : i32
        %while3A_96 = arith.addi %div3A_90, %while3A_95 : i32
        %while3A_97 = arith.constant 1 : i32
        %while3A_98 = arith.divsi %while3A_95, %while3A_97 : i32
        %while3A_99 = arith.muli %while3A_98, %while3A_97 : i32
        %while3A_100 = arith.addi %div3A_90, %while3A_99 : i32
        %while3A_101 = arith.constant 1 : i32
        %while3A_102 = scf.for %while3A_105 = %div3A_90 to %while3A_100 step %while3A_101 iter_args(%while3A_106 = %while3A) -> (i32)  : i32 {
          %mul3A_107 = arith.constant 16 : i32
          %mul3A_108 = arith.muli %while3A_105, %mul3A_107 : i32
          %multiple_of3A = tpu.assume_multiple %mul3A_108, 8 : i32
          %get3A = arith.index_cast %multiple_of3A : i32 to index
          %get3A_109 = tpu.vector_load %arg15[%get3A] {strides = array<i32>} : memref<16384xi32, #tpu.memory_space<vmem>>, vector<16xi32>,
          %get3A_110 = arith.index_cast %multiple_of3A : i32 to index
          %get3A_111 = tpu.vector_load %arg16[%get3A_110] {strides = array<i32>} : memref<16384xi32, #tpu.memory_space<vmem>>, vector<16xi32>,
          %ge3A_112 = vector.broadcast %mul3A_87 : i32 to vector<16xi32>
          %ge3A_113 = arith.cmpi sge, %get3A_109, %ge3A_112 : vector<16xi32>
          %add3A_114 = arith.constant 512 : i32
          %add3A_115 = arith.addi %mul3A_87, %add3A_114 : i32
          %lt3A_116 = vector.broadcast %add3A_115 : i32 to vector<16xi32>
          %lt3A_117 = arith.cmpi slt, %get3A_109, %lt3A_116 : vector<16xi32>
          %and3A = arith.andi %ge3A_113, %lt3A_117 : vector<16xi1>
          %sub3A = vector.broadcast %select_n3A : i32 to vector<16xi32>
          %sub3A_118 = arith.subi %get3A_109, %sub3A : vector<16xi32>
          %jit3A_119 = arith.constant 0 : i32
          %jit3A_120 = arith.constant 511 : i32
          %max3A = vector.broadcast %jit3A_119 : i32 to vector<16xi32>
          %max3A_121 = arith.maxsi %max3A, %sub3A_118 : vector<16xi32>
          %min3A = vector.broadcast %jit3A_120 : i32 to vector<16xi32>
          %min3A_122 = arith.minsi %min3A, %max3A_121 : vector<16xi32>
          %scan3A_123 = arith.constant 0 : i32
          %scan3A_124 = arith.constant 0 : i32
          %scan3A_125 = arith.constant 64 : i32
          %scan3A_126 = arith.addi %scan3A_124, %scan3A_125 : i32
          %scan3A_127 = arith.constant 1 : i32
          %scan3A_128 = scf.for %scan3A_139 = %scan3A_124 to %scan3A_126 step %scan3A_127 iter_args(%scan3A_140 = %scan3A_123) -> (i32)  : i32 {
            %broadcast_in_dim3A_141 = vector.broadcast %scan3A_139 : i32 to vector<16xi32>
            %jit3A_142 = arith.constant 0 : i32
            %jit3A_143 = arith.constant 127 : i32
            %max3A_144 = vector.broadcast %jit3A_142 : i32 to vector<16xi32>
            %max3A_145 = arith.maxsi %max3A_144, %min3A_122 : vector<16xi32>
            %min3A_146 = vector.broadcast %jit3A_143 : i32 to vector<16xi32>
            %min3A_147 = arith.minsi %min3A_146, %max3A_145 : vector<16xi32>
            %gather3A_148 = tpu.vector_load_idx %arg18[%broadcast_in_dim3A_141, %min3A_147] : memref<16x128xf32, #tpu.memory_space<vmem>>[vector<16xi32>, vector<16xi32>], vector<16xf32>,
            tpu.vector_store_idx %arg18[%iota3A, %broadcast_in_dim3A_141], %gather3A_148 : memref<16x128xf32, #tpu.memory_space<vmem>>[vector<16xi32>, vector<16xi32>], vector<16xf32>,
            %scan3A_149 = arith.constant 0 : i32
            scf.yield %scan3A_149 : i32
          }
          %scan3A_129 = arith.constant 64 : i32
          %jit3A_130 = arith.constant -1 : i32
          %broadcast_in_dim3A_131 = vector.broadcast %jit3A_130 : i32 to vector<16xi32>
          %select_n3A_132 = arith.select %and3A, %get3A_111, %broadcast_in_dim3A_131 : vector<16xi1>, vector<16xi32>
          %dma_start3A = arith.constant 0 : i32
          %dma_start3A_133 = arith.constant 0 : i32
          %dma_start3A_134 = tpu.memref_slice %arg13[%dma_start3A, %dma_start3A_133] : memref<16384x128xf32, #tpu.memory_space<hbm>> -> memref<16384x128xf32, #tpu.memory_space<hbm>>
          %dma_start3A_135 = arith.constant -1 : i32
          tpu.enqueue_indirect_dma source(%arg18 : memref<16x128xf32, #tpu.memory_space<vmem>>) target(%dma_start3A_134 : memref<16384x128xf32, #tpu.memory_space<hbm>>) offsets(%select_n3A_132 : vector<16xi32>) offset_filter(%dma_start3A_135) semaphore(%arg21 : memref<!tpu.dma_semaphore, #tpu.memory_space<semaphore_mem>>)
          %dma_wait3A = arith.constant 0 : i32
          %dma_wait3A_136 = arith.constant 0 : i32
          %dma_wait3A_137 = tpu.memref_slice %arg13[%dma_wait3A, %dma_wait3A_136] : memref<16384x128xf32, #tpu.memory_space<hbm>> -> memref<16384x128xf32, #tpu.memory_space<hbm>>
          tpu.wait_indirect_dma semaphore(%arg21 : memref<!tpu.dma_semaphore, #tpu.memory_space<semaphore_mem>>) src(%arg18 : memref<16x128xf32, #tpu.memory_space<vmem>>) dst(%dma_wait3A_137 : memref<16384x128xf32, #tpu.memory_space<hbm>>)
          %while3A_138 = arith.constant 0 : i32
          scf.yield %while3A_138 : i32
        }
        %while3A_103 = arith.constant 1 : i32
        %while3A_104 = scf.for %while3A_105 = %while3A_100 to %while3A_96 step %while3A_103 iter_args(%while3A_106 = %while3A_102) -> (i32)  : i32 {
          %mul3A_107 = arith.constant 16 : i32
          %mul3A_108 = arith.muli %while3A_105, %mul3A_107 : i32
          %multiple_of3A = tpu.assume_multiple %mul3A_108, 8 : i32
          %get3A = arith.index_cast %multiple_of3A : i32 to index
          %get3A_109 = tpu.vector_load %arg15[%get3A] {strides = array<i32>} : memref<16384xi32, #tpu.memory_space<vmem>>, vector<16xi32>,
          %get3A_110 = arith.index_cast %multiple_of3A : i32 to index
          %get3A_111 = tpu.vector_load %arg16[%get3A_110] {strides = array<i32>} : memref<16384xi32, #tpu.memory_space<vmem>>, vector<16xi32>,
          %ge3A_112 = vector.broadcast %mul3A_87 : i32 to vector<16xi32>
          %ge3A_113 = arith.cmpi sge, %get3A_109, %ge3A_112 : vector<16xi32>
          %add3A_114 = arith.constant 512 : i32
          %add3A_115 = arith.addi %mul3A_87, %add3A_114 : i32
          %lt3A_116 = vector.broadcast %add3A_115 : i32 to vector<16xi32>
          %lt3A_117 = arith.cmpi slt, %get3A_109, %lt3A_116 : vector<16xi32>
          %and3A = arith.andi %ge3A_113, %lt3A_117 : vector<16xi1>
          %sub3A = vector.broadcast %select_n3A : i32 to vector<16xi32>
          %sub3A_118 = arith.subi %get3A_109, %sub3A : vector<16xi32>
          %jit3A_119 = arith.constant 0 : i32
          %jit3A_120 = arith.constant 511 : i32
          %max3A = vector.broadcast %jit3A_119 : i32 to vector<16xi32>
          %max3A_121 = arith.maxsi %max3A, %sub3A_118 : vector<16xi32>
          %min3A = vector.broadcast %jit3A_120 : i32 to vector<16xi32>
          %min3A_122 = arith.minsi %min3A, %max3A_121 : vector<16xi32>
          %scan3A_123 = arith.constant 0 : i32
          %scan3A_124 = arith.constant 0 : i32
          %scan3A_125 = arith.constant 64 : i32
          %scan3A_126 = arith.addi %scan3A_124, %scan3A_125 : i32
          %scan3A_127 = arith.constant 1 : i32
          %scan3A_128 = scf.for %scan3A_139 = %scan3A_124 to %scan3A_126 step %scan3A_127 iter_args(%scan3A_140 = %scan3A_123) -> (i32)  : i32 {
            %broadcast_in_dim3A_141 = vector.broadcast %scan3A_139 : i32 to vector<16xi32>
            %jit3A_142 = arith.constant 0 : i32
            %jit3A_143 = arith.constant 127 : i32
            %max3A_144 = vector.broadcast %jit3A_142 : i32 to vector<16xi32>
            %max3A_145 = arith.maxsi %max3A_144, %min3A_122 : vector<16xi32>
            %min3A_146 = vector.broadcast %jit3A_143 : i32 to vector<16xi32>
            %min3A_147 = arith.minsi %min3A_146, %max3A_145 : vector<16xi32>
            %gather3A_148 = tpu.vector_load_idx %arg18[%broadcast_in_dim3A_141, %min3A_147] : memref<16x128xf32, #tpu.memory_space<vmem>>[vector<16xi32>, vector<16xi32>], vector<16xf32>,
            tpu.vector_store_idx %arg18[%iota3A, %broadcast_in_dim3A_141], %gather3A_148 : memref<16x128xf32, #tpu.memory_space<vmem>>[vector<16xi32>, vector<16xi32>], vector<16xf32>,
            %scan3A_149 = arith.constant 0 : i32
            scf.yield %scan3A_149 : i32
          }
          %scan3A_129 = arith.constant 64 : i32
          %jit3A_130 = arith.constant -1 : i32
          %broadcast_in_dim3A_131 = vector.broadcast %jit3A_130 : i32 to vector<16xi32>
          %select_n3A_132 = arith.select %and3A, %get3A_111, %broadcast_in_dim3A_131 : vector<16xi1>, vector<16xi32>
          %dma_start3A = arith.constant 0 : i32
          %dma_start3A_133 = arith.constant 0 : i32
          %dma_start3A_134 = tpu.memref_slice %arg13[%dma_start3A, %dma_start3A_133] : memref<16384x128xf32, #tpu.memory_space<hbm>> -> memref<16384x128xf32, #tpu.memory_space<hbm>>
          %dma_start3A_135 = arith.constant -1 : i32
          tpu.enqueue_indirect_dma source(%arg18 : memref<16x128xf32, #tpu.memory_space<vmem>>) target(%dma_start3A_134 : memref<16384x128xf32, #tpu.memory_space<hbm>>) offsets(%select_n3A_132 : vector<16xi32>) offset_filter(%dma_start3A_135) semaphore(%arg21 : memref<!tpu.dma_semaphore, #tpu.memory_space<semaphore_mem>>)
          %dma_wait3A = arith.constant 0 : i32
          %dma_wait3A_136 = arith.constant 0 : i32
          %dma_wait3A_137 = tpu.memref_slice %arg13[%dma_wait3A, %dma_wait3A_136] : memref<16384x128xf32, #tpu.memory_space<hbm>> -> memref<16384x128xf32, #tpu.memory_space<hbm>>
          tpu.wait_indirect_dma semaphore(%arg21 : memref<!tpu.dma_semaphore, #tpu.memory_space<semaphore_mem>>) src(%arg18 : memref<16x128xf32, #tpu.memory_space<vmem>>) dst(%dma_wait3A_137 : memref<16384x128xf32, #tpu.memory_space<hbm>>)
          %while3A_138 = arith.constant 0 : i32
          scf.yield %while3A_138 : i32
        }
      } else {
      }
      %scan3A_85 = arith.constant 0 : i32
      scf.yield %scan3A_85 : i32
    }
    %scan3A_41 = arith.constant 62 : i32
    return
  }
}

module attributes {stable_mosaic.version = 14 : i64} {
  func.func @body(%arg0: i32, %arg1: memref<2048x128xf32, #tpu.memory_space<vmem>>, %arg2: memref<2048x128xf32, #tpu.memory_space<vmem>>, %arg3: memref<128x64xf32, #tpu.memory_space<vmem>>, %arg4: memref<1x64xf32, #tpu.memory_space<vmem>>, %arg5: memref<1x64xf32, #tpu.memory_space<vmem>>, %arg6: memref<2048x1xf32, #tpu.memory_space<vmem>>) attributes {dimension_semantics = [#tpu.dimension_semantics<arbitrary>], iteration_bounds = array<i64: 8>, scalar_prefetch = 0 : i64, scratch_operands = 0 : i64, tpu.core_type = #tpu.core_type<tc>, window_params = [{transform_indices = @transform_0, window_bounds = array<i64: 2048, 128>}, {transform_indices = @transform_1, window_bounds = array<i64: 2048, 128>}, {pipeline_mode = #tpu.pipeline_mode<synchronous>, transform_indices = @transform_2, window_bounds = array<i64: 128, 64>}, {pipeline_mode = #tpu.pipeline_mode<synchronous>, transform_indices = @transform_3, window_bounds = array<i64: 1, 64>}, {pipeline_mode = #tpu.pipeline_mode<synchronous>, transform_indices = @transform_4, window_bounds = array<i64: 1, 64>}, {transform_indices = @transform_5, window_bounds = array<i64: 2048, 1>}]} {
    %get3A = arith.constant 0 : index
    %get3A_0 = arith.constant 0 : index
    %get3A_1 = vector.load %arg1[%get3A, %get3A_0] : memref<2048x128xf32, #tpu.memory_space<vmem>>, vector<2048x128xf32>
    %slice3A = vector.extract_strided_slice %get3A_1 {offsets = [0, 0], sizes = [2048, 64], strides = [1, 1]} : vector<2048x128xf32> to vector<2048x64xf32>
    %get3A_2 = arith.constant 0 : index
    %get3A_3 = arith.constant 0 : index
    %get3A_4 = vector.load %arg2[%get3A_2, %get3A_3] : memref<2048x128xf32, #tpu.memory_space<vmem>>, vector<2048x128xf32>
    %slice3A_5 = vector.extract_strided_slice %get3A_4 {offsets = [0, 0], sizes = [2048, 64], strides = [1, 1]} : vector<2048x128xf32> to vector<2048x64xf32>
    %concatenate3A = tpu.concatenate %slice3A, %slice3A_5 in 1 : vector<2048x64xf32>, vector<2048x64xf32> -> vector<2048x128xf32>
    %get3A_6 = arith.constant 0 : index
    %get3A_7 = arith.constant 0 : index
    %get3A_8 = vector.load %arg3[%get3A_6, %get3A_7] : memref<128x64xf32, #tpu.memory_space<vmem>>, vector<128x64xf32>
    %dot_general3A = arith.constant dense<0.000000e+00> : vector<2048x64xf32>
    %dot_general3A_9 = tpu.matmul %concatenate3A, %get3A_8, %dot_general3A {dimension_numbers = #tpu.dot_dimension_numbers<[1], [0], [0], [1], [0, 0, 1, 1], [], []>, transpose_lhs_hint = false} : vector<2048x128xf32>, vector<128x64xf32>, vector<2048x64xf32> -> vector<2048x64xf32>
    %get3A_10 = arith.constant 0 : index
    %get3A_11 = arith.constant 0 : index
    %get3A_12 = vector.load %arg4[%get3A_10, %get3A_11] : memref<1x64xf32, #tpu.memory_space<vmem>>, vector<1x64xf32>
    %add3A = vector.broadcast %get3A_12 : vector<1x64xf32> to vector<2048x64xf32>
    %add3A_13 = arith.addf %dot_general3A_9, %add3A : vector<2048x64xf32>
    %max3A = arith.constant 0.000000e+00 : f32
    %max3A_14 = vector.broadcast %max3A : f32 to vector<2048x64xf32>
    %max3A_15 = arith.maximumf %add3A_13, %max3A_14 : vector<2048x64xf32>
    %get3A_16 = arith.constant 0 : index
    %get3A_17 = arith.constant 0 : index
    %get3A_18 = vector.load %arg5[%get3A_16, %get3A_17] : memref<1x64xf32, #tpu.memory_space<vmem>>, vector<1x64xf32>
    %mul3A = vector.broadcast %get3A_18 : vector<1x64xf32> to vector<2048x64xf32>
    %mul3A_19 = arith.mulf %max3A_15, %mul3A : vector<2048x64xf32>
    %reduce_sum3A = arith.constant dense<0.000000e+00> : vector<2048xf32>
    %reduce_sum3A_20 = vector.multi_reduction <add>, %mul3A_19, %reduce_sum3A [1] : vector<2048x64xf32> to vector<2048xf32>
    %broadcast_in_dim3A = vector.shape_cast %reduce_sum3A_20 : vector<2048xf32> to vector<2048x1xf32>
    %swap3A = arith.constant 0 : index
    %swap3A_21 = arith.constant 0 : index
    %swap3A_22 = vector.load %arg6[%swap3A, %swap3A_21] : memref<2048x1xf32, #tpu.memory_space<vmem>>, vector<2048x1xf32>
    tpu.vector_store %arg6[%swap3A, %swap3A_21], %broadcast_in_dim3A {strides = array<i32>} : memref<2048x1xf32, #tpu.memory_space<vmem>>, vector<2048x1xf32>,
    return
  }
  func.func @transform_0(%arg0: i32) -> (i32, i32) {
    %c0_i32 = arith.constant 0 : i32
    %c0_i32_0 = arith.constant 0 : i32
    return %arg0, %c0_i32 : i32, i32
  }
  func.func @transform_1(%arg0: i32) -> (i32, i32) {
    %c0_i32 = arith.constant 0 : i32
    %c0_i32_0 = arith.constant 0 : i32
    return %arg0, %c0_i32 : i32, i32
  }
  func.func @transform_2(%arg0: i32) -> (i32, i32) {
    %c0_i32 = arith.constant 0 : i32
    %c0_i32_0 = arith.constant 0 : i32
    %c0_i32_1 = arith.constant 0 : i32
    return %c0_i32, %c0_i32_0 : i32, i32
  }
  func.func @transform_3(%arg0: i32) -> (i32, i32) {
    %c0_i32 = arith.constant 0 : i32
    %c0_i32_0 = arith.constant 0 : i32
    %c0_i32_1 = arith.constant 0 : i32
    return %c0_i32, %c0_i32_0 : i32, i32
  }
  func.func @transform_4(%arg0: i32) -> (i32, i32) {
    %c0_i32 = arith.constant 0 : i32
    %c0_i32_0 = arith.constant 0 : i32
    %c0_i32_1 = arith.constant 0 : i32
    return %c0_i32, %c0_i32_0 : i32, i32
  }
  func.func @transform_5(%arg0: i32) -> (i32, i32) {
    %c0_i32 = arith.constant 0 : i32
    %c0_i32_0 = arith.constant 0 : i32
    return %arg0, %c0_i32 : i32, i32
  }
}

</mosaic_0001>

<sc_bundles>
// kernel: kernel.4.cloned.1.call-start
scs
__scs_entry_jumppad:
0x0: {  	(pc) =	sbr.rel $0x88, $3  }
0x1: {  	(tag) =	ssettag $0x0;
	lr =	simm.s32 $0x1  }
0x2: {  	[smem:$0x3F9A] =	sst lr;
	_ =	strace $0xD0000000  }
0x3: {  	_ = 	snop  }
0x4: {  	_ = 	snop  }
0x5: {  	_ = 	snop  }
0x6: {  	_ = 	snop  }
0x7: {  	_ = 	snop  }
__scs_overlays_trampoline_lowered:
0x8: {  	[smem:$0x3FA9] =	sst s0  }
0x9: {  	[smem:$0x3FAA] =	sst s1  }
0xa: {  	[smem:$0x3FAB] =	sst s2  }
0xb: {  	[smem:$0x3FAC] =	sst s3  }
0xc: {  	[smem:$0x3FAD] =	sst s4  }
0xd: {  	[smem:$0x3FAE] =	sst s5  }
0xe: {  	[smem:$0x3FAF] =	sst s6  }
0xf: {  	[smem:$0x3FB0] =	sst s7  }
0x10: {  	[smem:$0x3FB1] =	sst s8  }
0x11: {  	[smem:$0x3FB2] =	sst s9;
	s0 =	simm.s32 @!p0 $0x0  }
0x12: {  	s1 =	sld [smem:$0x3F98];
	s0 =	simm.s32 @p0 $0x1  }
0x13: {  	[smem:$0x3FB3] =	sst s0;
	s0 =	simm.s32 @!p1 $0x0  }
0x14: {  	s2 =	sld [smem:$0x3F97];
	s0 =	simm.s32 @p1 $0x1  }
0x15: {  	[smem:$0x3FB4] =	sst s0;
	s0 =	simm.s32 @!p2 $0x0  }
0x16: {  	s3 =	sld [smem:$0x3FDB];
	s0 =	simm.s32 @p2 $0x1  }
0x17: {  	s4 =	simm.s32 $0x1BF5;
	[smem:$0x3FB6] =	sst s0  }
0x18: {  	s0 =	sld [smem:$0x3F99];
	_ =	swait.ge [sflag:s4], $0x0  }
0x19: {  	s7 =	sld [smem:$0x3F9A]  }
0x1a: {  	s8 =	sadd.s32 $0xFFFFE003, lr  }
0x1b: {  	s9 =	sadd.s32 $0xFFFFFEF7, lr;
	s5 =	simm.s32 $0xFFFFFFFF;
	p2 =	slt.u32 s8, $0xFFFFF086  }
0x1c: {  	p1 =	slt.u32 s9, $0xF7A;
	s5 =	simm.s32 @!p2 $0x0  }
0x1d: {  	s5 =	simm.s32 @p1 $0x1;
	p0 =	seq.s32 s7, s2  }
0x1e: {  	s7 =	smul.u32 @!p0 $0xF7A, s2;
	p2 =	seq.s32 @!p0 s5, $0x0  }
0x1f: {  	s9 =	smul.u32 $0xF7A, s1;
	s8 =	simm.s32 @!p0 $0x1BF5;
	p2 =	por !p2, p0  }
0x20: {  	[sflag:s8] =	ssyncset.s32 @!p0 $0xFFFFF086;
	s6 =	sadd.s32 @!p0 s3, s7;
	s7 =	simm.s32 @!p0 $0x108  }
0x21: {  	s3 =	sadd.s32 s3, s9;
	s6 =	sadd.s32 @!p0 $0x88, s6;
	s7 =	simm.s32 @p2 $0x1082  }
0x22: {  	[simem:s7], [sflag:s8] =	dma.local @!p0 [hbm:s6], $0xF7A  }
0x23: {  	s9 =	sor.u32 $0xD0000000, s2;
	s6 =	simm.s32 $0x108;
	_ =	swait.ge @!p0 [sflag:s8], $0x0  }
0x24: {  	s3 =	sadd.s32 $0x88, s3;
	s6 =	simm.s32 @!p1 $0x1082;
	[sflag:s4] =	ssyncset.s32 $0xFFFFF086  }
0x25: {  	[simem:s6], [sflag:s4] =	dma.local [hbm:s3], $0xF7A  }
0x26: {  	[smem:$0x3F9A] =	sst s1;
	(tag) =	ssettag s2;
	_ =	strace s9  }
0x27: {  	s1 =	sld [smem:$0x3FAA]  }
0x28: {  	s2 =	sld [smem:$0x3FAB]  }
0x29: {  	s4 =	sld [smem:$0x3FAD]  }
0x2a: {  	p0 =	seq.s32 s5, $0x0;
	s5 =	sld [smem:$0x3FAE]  }
0x2b: {  	s6 =	sld [smem:$0x3FAF]  }
0x2c: {  	s7 =	sld [smem:$0x3FB0]  }
0x2d: {  	s3 =	simm.s32 $0x108;
	s8 =	sld [smem:$0x3FB1]  }
0x2e: {  	s3 =	simm.s32 @!p0 $0x1082;
	s9 =	sld [smem:$0x3FB2]  }
0x2f: {  	lr =	sadd.s32 s0, s3;
	s0 =	sld [smem:$0x3FA9]  }
0x30: {  	s3 =	sld [smem:$0x3FAC]  }
0x31: {  	[smem:$0x3FB5] =	sst s10  }
0x32: {  	s10 =	sld [smem:$0x3FB3];
	_ =	sdelay $0x3  }
0x33: {  	p0 =	seq.s32 s10, $0x1;
	s10 =	sld [smem:$0x3FB5];
	_ =	sdelay $0x3  }
0x34: {  	[smem:$0x3FB5] =	sst s10  }
0x35: {  	s10 =	sld [smem:$0x3FB4];
	_ =	sdelay $0x3  }
0x36: {  	p1 =	seq.s32 s10, $0x1;
	s10 =	sld [smem:$0x3FB5];
	_ =	sdelay $0x3  }
0x37: {  	[smem:$0x3FB5] =	sst s10  }
0x38: {  	s10 =	sld [smem:$0x3FB6]  }
0x39: {  	_ = 	snop;
	(pc) =	sbr.ind lr, $3  }
0x3a: {  	_ = 	snop  }
0x3b: {  	_ = 	snop  }
0x3c: {  	p2 =	seq.s32 s10, $0x1;
	s10 =	sld [smem:$0x3FB5]  }
0x3d: {  	_ =	shalt  }
0x3e: {  	_ =	shalt  }
0x3f: {  	_ =	shalt  }
0x40: {  	_ =	shalt  }
0x41: {  	_ =	shalt  }
0x42: {  	_ =	shalt  }
0x43: {  	_ =	shalt  }
0x44: {  	_ =	shalt  }
0x45: {  	_ =	shalt  }
0x46: {  	_ =	shalt  }
0x47: {  	_ =	shalt  }
0x48: {  	_ =	shalt  }
0x49: {  	_ =	shalt  }
0x4a: {  	_ =	shalt  }
0x4b: {  	_ =	shalt  }
0x4c: {  	_ =	shalt  }
0x4d: {  	_ =	shalt  }
0x4e: {  	_ =	shalt  }
0x4f: {  	_ =	shalt  }
0x50: {  	_ =	shalt  }
0x51: {  	_ =	shalt  }
0x52: {  	_ =	shalt  }
0x53: {  	_ =	shalt  }
0x54: {  	_ =	shalt  }
0x55: {  	_ =	shalt  }
0x56: {  	_ =	shalt  }
0x57: {  	_ =	shalt  }
0x58: {  	_ =	shalt  }
0x59: {  	_ =	shalt  }
0x5a: {  	_ =	shalt  }
0x5b: {  	_ =	shalt  }
0x5c: {  	_ =	shalt  }
0x5d: {  	_ =	shalt  }
0x5e: {  	_ =	shalt  }
0x5f: {  	_ =	shalt  }
0x60: {  	_ =	shalt  }
0x61: {  	_ =	shalt  }
0x62: {  	_ =	shalt  }
0x63: {  	_ =	shalt  }
0x64: {  	_ =	shalt  }
0x65: {  	_ =	shalt  }
0x66: {  	_ =	shalt  }
0x67: {  	_ =	shalt  }
0x68: {  	_ =	shalt  }
0x69: {  	_ =	shalt  }
0x6a: {  	_ =	shalt  }
0x6b: {  	_ =	shalt  }
0x6c: {  	_ =	shalt  }
0x6d: {  	_ =	shalt  }
0x6e: {  	_ =	shalt  }
0x6f: {  	_ =	shalt  }
0x70: {  	_ =	shalt  }
0x71: {  	_ =	shalt  }
0x72: {  	_ =	shalt  }
0x73: {  	_ =	shalt  }
0x74: {  	_ =	shalt  }
0x75: {  	_ =	shalt  }
0x76: {  	_ =	shalt  }
0x77: {  	_ =	shalt  }
0x78: {  	_ =	shalt  }
0x79: {  	_ =	shalt  }
0x7a: {  	_ =	shalt  }
0x7b: {  	_ =	shalt  }
0x7c: {  	_ =	shalt  }
0x7d: {  	_ =	shalt  }
0x7e: {  	_ =	shalt  }
0x7f: {  	_ =	shalt  }
0x80: {  	_ =	shalt  }
0x81: {  	_ =	shalt  }
0x82: {  	_ =	shalt  }
0x83: {  	_ =	shalt  }
0x84: {  	_ =	shalt  }
0x85: {  	_ =	shalt  }
0x86: {  	_ =	shalt  }
0x87: {  	_ =	shalt  }
.Lfunc_end0:
.L_simem_size_0:
called_computation_lowered:
.L_overlay_start_0:
0x88: {  	s2 =	sld [smem:$0x3FD9]  }
0x89: {  	s3 =	sld [smem:$0x3FFE];
	_ =	sdelay $0x1  }
0x8a: {  	s1 =	srdreg.scid  }
0x8b: {  	s0 =	sand.u32 $0x1, s1  }
0x8c: {  	s17 =	sshll.u32 s0, $0xA;
	s2 =	sadd.s32 s3, s2  }
0x8d: {  	s2 =	sadd.s32 s2, s17  }
0x8e: {  	[smem:$0x3FC1] =	sst s2  }
0x8f: {  	_ = 	snop  }
0x90: {  	s2 =	sld [smem:$0x3FC7]  }
0x91: {  	s18 =	sld [smem:$0x3FC6]  }
0x92: {  	s4 =	sld [smem:$0x3FD0];
	(tm) =	ssettm $0x1  }
0x93: {  	s5 =	sld [smem:$0x3FFB];
	_ =	sdelay $0x3  }
0x94: {  	_ =	strace s5  }
0x95: {  	s5 =	sld [smem:$0x3FFC];
	_ =	sdelay $0x3  }
0x96: {  	_ =	strace s5  }
0x97: {  	s5 =	sld [smem:$0x3FFD];
	_ =	sdelay $0x3  }
0x98: {  	_ =	strace s5  }
0x99: {  	_ =	strace $0x8FFFFFFF  }
0x9a: {  	s19 =	sld [smem:$0x3FDB];
	_ =	sdelay $0x1  }
0x9b: {  	s6 =	simm.s32 $_scs_section_size  }
0x9c: {  	s7 =	simm.s32 $_size__tile_overlayer_lowered;
	s8 =	simm.s32 $_tile_overlayer_lowered  }
0x9d: {  	s22 =	simm.s32 $0x1BFF;
	s21 =	sshll.u32 s8, $0x1;
	s5 =	sadd.s32 s6, s19  }
0x9e: {  	s9 =	simm.s32 $0x0;
	s20 =	sshll.u32 s7, $0x1;
	s7 =	sadd.s32 s21, s5  }
0x9f: {  	[timem:s9], [sflag:s22] =	dma.local [hbm:s7], s20  }
0xa0: {  	_ =	swait.ge [sflag:s22], s20  }
0xa1: {  	s6 =	ssub.s32 $0x0, s20;
	[sflag:s22] =	ssyncset.done $0x0  }
0xa2: {  	[sflag:s22] =	ssyncadd.s32 s6;
	_ =	sdelay $0x1  }
0xa3: {  	s23 =	simm.s32 $0x1B8B  }
0xa4: {  	_ =	swait.ge [sflag:s23], $0x1  }
0xa5: {  	[sflag:s23] =	ssyncset.done $0x0  }
0xa6: {  	s25 =	simm.s32 $0x1B8E;
	s24 =	sld [smem:$0x3FFE];
	[sflag:s23] =	ssyncadd.s32 $0xFFFFFFFF  }
0xa7: {  	s26 =	simm.s32 $execute0_lowered;
	[smem:$0x3FD2] =	sst s25  }
0xa8: {  	s7 =	sshll.u32 s26, $0x1;
	_ =	strace $0x80000046;
	[dreg:$0x1] =	wrdreg $0xFFFFFFFF  }
0xa9: {  	s28 =	simm.s32 $_size_execute0_lowered;
	s5 =	sadd.s32 s5, s7;
	[dreg:$0x0] =	wrdreg $0x0  }
0xaa: {  	s7 =	sshll.u32 s28, $0x1;
	[dreg:$0x2] =	wrdreg s5  }
0xab: {  	[dreg:$0x3] =	wrdreg s7  }
0xac: {  	[dreg:$0x4] =	wrdreg $0xC0  }
0xad: {  	_ =	task [dreg:s9], $0x5FFFF  }
0xae: {  	[dreg:$0x1] =	wrdreg $0xFFFFFFFF  }
0xaf: {  	[dreg:$0x0] =	wrdreg $0x60  }
0xb0: {  	[dreg:$0x2] =	wrdreg s24  }
0xb1: {  	[dreg:$0x3] =	wrdreg s4  }
0xb2: {  	[dreg:$0x4] =	wrdreg s2  }
0xb3: {  	[dreg:$0x5] =	wrdreg s18  }
0xb4: {  	[dreg:$0x6] =	wrdreg $0x0  }
0xb5: {  	[dreg:$0x7] =	wrdreg $0x9  }
0xb6: {  	_ =	task.clear_ibuf [dreg:s9], $0x8FFFF;
	_ =	strace $0x90000046  }
0xb7: {  	s29 =	simm.s32 $0x9;
	_ =	strace $0x80000048  }
0xb8: {  	_ =	swait.ge [sflag:s29], $0x1  }
0xb9: {  	[sflag:s29] =	ssyncadd.s32 $0xFFFFFFFF  }
0xba: {  	_ =	strace $0x90000048  }
0xbb: {  	_ =	sfence  }
0xbc: {  	s30 =	sld [smem:$0x0];
	_ =	sdelay $0x2  }
0xbd: {  	s31 =	sshll.u32 s1, $0xD;
	s1 =	sshrl.u32 s1, $0x2  }
0xbe: {  	s3 =	sand.u32 $0x4000, s31;
	s1 =	sadd.s32 s1, s30  }
0xbf: {  	s0 =	sor.u32 s3, s0;
	s1 =	sshll.u32 s1, $0x11  }
0xc0: {  	s0 =	sor.u32 s1, s0  }
0xc1: {  	s0 =	sadd.s32 $0x8F2B, s0  }
0xc2: {  	[sflag:s0] =	ssyncadd.remote.s32 $0x1  }
0xc3: {  	_ =	sfence.sel $0xFFFF  }
0xc4: {  	[dreg:$0x0] =	wrdreg $0xFFFFFFFF;
	(pc) =	sbr.abs _section_cstart, $3  }
0xc5: {  	[dreg:$0x1] =	wrdreg $0xFFFFFFFF  }
0xc6: {  	_ =	task.clear_ibuf [dreg:s9], $0x2FFFF;
	_ =	strace $0x9FFFFFFF  }
0xc7: {  	(tm) =	ssettm $0x7FFFFFFF  }
tec
execute0_lowered:
.L_overlay_start_1:
0x0: {  	(tag) =	ssettag $0x1  }
0x1: {  	s12 =	rddreg [dreg:$0x0]  }
0x2: {  	s13 =	rddreg [dreg:$0x2]  }
0x3: {  	s19 =	rddreg [dreg:$0x3];
	s0 =	srdreg.scid  }
0x4: {  	s5 =	stileid.u32;
	s1 =	rddreg [dreg:$0x4]  }
0x5: {  	s6 =	simm.s32 $0x0;
	s0 =	sand.u32 $0x1, s0;
	s2 =	sshll.u32 s5, $0x1  }
0x6: {  	[smem:$0x7FF] =	sst s6;
	s2 =	sor.u32 s0, s2  }
0x7: {  	s5 =	sshll.u32 s5, $0x10;
	s0 =	ssub.s32 $0x2, s0;
	s3 =	smul.u32 $0x3E000, s2  }
0x8: {  	s17 =	sadd.s32 $0x2C00, s12;
	_ =	strace $0x80000047;
	s4 =	sshrl.u32 s0, $0x1  }
0x9: {  	s7 =	sadd.s32 s5, s1;
	s0 =	ssub.s32 s0, s4;
	s18 =	sshrl.u32 s3, $0x3  }
0xa: {  	[dreg:$0x17] =	wrdreg s17;
	s0 =	smax.u32 s0, $0x1;
	s20 =	sadd.s32 $0xF4280, s18  }
0xb: {  	s3 =	sadd.s32 s13, s18;
	s21 =	sadd.s32 $0x1E8500, s18;
	s24 =	sadd.s32 $0x2DC780, s18  }
0xc: {  	s25 =	sadd.s32 $0x3D0A00, s18;
	s9 =	sadd.s32 $0x4C4C80, s18;
	[dreg:$0x16] =	wrdreg s0  }
0xd: {  	s26 =	sadd.s32 $0x5B8F00, s18;
	s1 =	sadd.s32 s19, s18;
	[dreg:$0x6] =	wrdreg s3  }
0xe: {  	s11 =	sadd.s32 $0x6AD180, s18;
	s18 =	sadd.s32 $0x400, s12;
	[dreg:$0xe] =	wrdreg s1  }
0xf: {  	s22 =	sadd.s32 s13, s20;
	[dreg:$0x18] =	wrdreg s18  }
0x10: {  	s23 =	sadd.s32 s13, s21;
	[dreg:$0x7] =	wrdreg s22  }
0x11: {  	s8 =	sadd.s32 s13, s24;
	[dreg:$0x8] =	wrdreg s23  }
0x12: {  	s10 =	sadd.s32 s13, s25;
	[dreg:$0x9] =	wrdreg s8  }
0x13: {  	s14 =	sadd.s32 s13, s9;
	[dreg:$0xa] =	wrdreg s10  }
0x14: {  	s28 =	sadd.s32 s13, s26;
	[dreg:$0xb] =	wrdreg s14  }
0x15: {  	s30 =	simm.s32 $0x2;
	s13 =	sadd.s32 s13, s11;
	[dreg:$0xc] =	wrdreg s28  }
0x16: {  	s31 =	simm.s32 $0x18800;
	s3 =	sadd.s32 s19, s20;
	[dreg:$0xd] =	wrdreg s13  }
0x17: {  	s29 =	simm.s32 $0x1;
	s4 =	sadd.s32 s19, s21;
	[dreg:$0xf] =	wrdreg s3  }
0x18: {  	s16 =	smul.u32 $0x3E, s2;
	s5 =	sadd.s32 s19, s24;
	[dreg:$0x10] =	wrdreg s4  }
0x19: {  	s2 =	sadd.s32 $0x3E00, s12;
	s15 =	sadd.s32 s19, s11;
	[dreg:$0x11] =	wrdreg s5  }
0x1a: {  	s0 =	sadd.s32 $0x43E00, s12;
	s20 =	sadd.s32 $0x3400, s12;
	[dreg:$0x15] =	wrdreg s15  }
0x1b: {  	s21 =	sadd.s32 $0x2400, s12;
	s11 =	sadd.s32 $0x4000, s7;
	[dreg:$0x19] =	wrdreg s20  }
0x1c: {  	s24 =	sadd.s32 $0xA000, s7;
	s8 =	sadd.s32 s19, s25;
	[dreg:$0x1a] =	wrdreg s21  }
0x1d: {  	s13 =	sadd.s32 s19, s9;
	s14 =	sadd.s32 s19, s26;
	[dreg:$0x1d] =	wrdreg s24  }
0x1e: {  	s22 =	sadd.s32 $0x3C00, s12;
	s20 =	sadd.s32 $0x1400, s12;
	[dreg:$0x12] =	wrdreg s8  }
0x1f: {  	s9 =	sadd.s32 $0x2000, s7;
	s10 =	sadd.s32 $0x3000, s7;
	[dreg:$0x13] =	wrdreg s13  }
0x20: {  	s12 =	sadd.s32 $0x5000, s7;
	s15 =	sadd.s32 $0x8000, s7;
	[dreg:$0x14] =	wrdreg s14  }
0x21: {  	s23 =	sadd.s32 $0x9000, s7;
	s25 =	sadd.s32 $0xB000, s7;
	[dreg:$0x1b] =	wrdreg s22  }
.Ltmp0:
0x22: {  	s26 =	sadd.s32 $0xC000, s7;
	[dreg:$0x1c] =	wrdreg s23;
	(pc) =	sbr.rel .LBB2_1-.Ltmp0, $4  }
0x23: {  	s28 =	sadd.s32 $0xD000, s7;
	s24 =	simm.s32 $0x18000;
	[dreg:$0x1e] =	wrdreg s25  }
0x24: {  	v0 =	vlaneseq.u32;
	s3 =	simm.s32 $0x0;
	s8 =	sadd.s32 $0x1000, s7;
	[dreg:$0x1f] =	wrdreg s26  }
0x25: {  	v0 =	vmul.u32 $0x80, v0;
	s13 =	sadd.s32 $0x6000, s7;
	s14 =	sadd.s32 $0x7000, s7;
	[smem:$0x7FD] =	sst s28  }
0x26: {  	vm0 =	vmmov $0xffff;
	s22 =	sadd.s32 $0xE000, s7;
	s23 =	sadd.s32 $0xF000, s7;
	s26 =	simm.s32 $0x3  }
.LBB2_23:
0x27: {  	s3 =	sld [smem:$0x7F4];
	_ =	sdelay $0x2  }
0x28: {  	s1 =	rddreg [dreg:$0x16];
	s3 =	sadd.s32 $0x1, s3  }
0x29: {  	p0 =	sne.s32 s3, s1  }
.Ltmp1:
0x2a: {  	_ = 	snop;
	(pc) =	sbr.rel @!p0 .LBB2_24-.Ltmp1, $1  }
0x2b: {  	_ =	sdelay $0x3  }
.LBB2_1:
0x2c: {  	[smem:$0x7F4] =	sst s3  }
0x2d: {  	s1 =	rddreg [dreg:$0x0];
	s25 =	simm.s32 $0x4  }
0x2e: {  	[tilespmem:s24], [sflag:$0x4] =	stream.linear.gather [hbm4b:s1+s6], $0x800, $0x38;
	[tilespmem:$0x19000] =	vst v63  }
0x2f: {  	_ =	swait.ge [sflag:s25], $0x800  }
0x30: {  	[sflag:s25] =	ssyncset.done $0x0  }
0x31: {  	s4 =	simm.s32 $0x10000;
	s28 =	rddreg [dreg:$0x17];
	[sflag:s25] =	ssyncadd.s32 $0xFFFFF800  }
0x32: {  	[tilespmem:s4], [sflag:$0x4] =	stream.linear.gather [hbm4b:s28+s6], $0x4000, $0x38;
	[tilespmem:$0x19000] =	vst v63  }
0x33: {  	_ =	swait.ge [sflag:s25], $0x4000  }
0x34: {  	[sflag:s25] =	ssyncset.done $0x0  }
0x35: {  	[sflag:s25] =	ssyncadd.s32 $0xFFFFC000  }
0x36: {  	s5 =	simm.s32 $0x14000;
	s17 =	stileid.u32;
	s4 =	rddreg [dreg:$0x1]  }
0x37: {  	[tilespmem:s5], [sflag:$0x4] =	stream.linear.gather [hbm4b:s4+s6], $0x4000, $0x38;
	[tilespmem:$0x19000] =	vst v63  }
0x38: {  	s18 =	sshrl.u32 s7, $0x3;
	s1 =	sshll.u32 s17, $0x6;
	_ =	swait.ge [sflag:s25], $0x4000  }
0x39: {  	s28 =	sshrl.u32 s8, $0x3;
	[sflag:s25] =	ssyncset.done $0x0;
	s21 =	rddreg [dreg:$0x6]  }
0x3a: {  	[smem:$0x7F5] =	sst s18;
	[sflag:s25] =	ssyncadd.s32 $0xFFFFC000;
	s25 =	sor.u32 $0x1C01, s1  }
0x3b: {  	[spmem:s18], [sflag:s25] =	dma.local [hbm:s21], $0x200  }
0x3c: {  	[smem:$0x7F6] =	sst s28  }
0x3d: {  	s4 =	sshrl.u32 s9, $0x3;
	s1 =	rddreg [dreg:$0x7]  }
0x3e: {  	[spmem:s28], [sflag:s25] =	dma.local [hbm:s1], $0x200  }
0x3f: {  	[smem:$0x7F7] =	sst s4  }
0x40: {  	s5 =	sshrl.u32 s10, $0x3;
	s1 =	rddreg [dreg:$0x8]  }
0x41: {  	[spmem:s4], [sflag:s25] =	dma.local [hbm:s1], $0x200  }
0x42: {  	[smem:$0x7F8] =	sst s5  }
0x43: {  	s17 =	sshrl.u32 s11, $0x3;
	s1 =	rddreg [dreg:$0x9]  }
0x44: {  	[spmem:s5], [sflag:s25] =	dma.local [hbm:s1], $0x200  }
0x45: {  	[smem:$0x7F9] =	sst s17  }
0x46: {  	s18 =	sshrl.u32 s12, $0x3;
	s1 =	rddreg [dreg:$0xa]  }
0x47: {  	[spmem:s17], [sflag:s25] =	dma.local [hbm:s1], $0x200  }
0x48: {  	[smem:$0x7FA] =	sst s18  }
0x49: {  	s21 =	sshrl.u32 s13, $0x3;
	s1 =	rddreg [dreg:$0xb]  }
0x4a: {  	[spmem:s18], [sflag:s25] =	dma.local [hbm:s1], $0x200  }
0x4b: {  	[smem:$0x7FB] =	sst s21  }
.Ltmp2:
0x4c: {  	s28 =	sshrl.u32 s14, $0x3;
	s1 =	rddreg [dreg:$0xc];
	(pc) =	sbr.rel .LBB2_2-.Ltmp2, $4  }
0x4d: {  	[spmem:s21], [sflag:s25] =	dma.local [hbm:s1], $0x200  }
0x4e: {  	[smem:$0x7FC] =	sst s28  }
0x4f: {  	s5 =	simm.s32 $0x0;
	s1 =	rddreg [dreg:$0xd]  }
0x50: {  	[spmem:s28], [sflag:s25] =	dma.local [hbm:s1], $0x200  }
.LBB2_11:
0x51: {  	p0 =	sne.s32 s3, $0x3E  }
.Ltmp3:
0x52: {  	_ = 	snop;
	(pc) =	sbr.rel @!p0 .LBB2_12-.Ltmp3, $2  }
0x53: {  	_ =	sdelay $0x2  }
0x54: {  	s5 =	smov.u32 s3  }
.LBB2_2:
0x55: {  	p0 =	seq.s32 s5, $0x3D  }
.Ltmp4:
0x56: {  	_ = 	snop;
	(pc) =	sbr.rel @p0 .LBB2_5-.Ltmp4, $2  }
0x57: {  	_ =	sdelay $0x2  }
0x58: {  	s3 =	sadd.s32 $0x1, s5  }
0x59: {  	s1 =	sand.u32 $0x1, s5  }
0x5a: {  	p1 =	seq.s32 s1, $0x1  }
.Ltmp5:
0x5b: {  	_ = 	snop;
	(pc) =	sbr.rel @!p1 .LBB2_4-.Ltmp5, $4  }
0x5c: {  	_ = 	snop  }
0x5d: {  	s4 =	sadd.s32 s16, s3  }
0x5e: {  	p0 =	sgt.u32 s4, $0x7A0  }
0x5f: {  	s4 =	sshll.u32 @!p0 s4, $0x9  }
0x60: {  	s1 =	sshrl.u32 @p0 s7, $0x3;
	s17 =	rddreg [dreg:$0x18]  }
0x61: {  	[spmem:s1], [sflag:s25] =	dma.local @p0 [hbm:s17], $0x1000  }
0x62: {  	s18 =	rddreg [dreg:$0x2]  }
0x63: {  	s17 =	sshrl.u32 @!p0 s7, $0x3;
	s1 =	sadd.s32 @!p0 s18, s4  }
0x64: {  	[spmem:s17], [sflag:s25] =	dma.local @!p0 [hbm:s1], $0x200  }
0x65: {  	s1 =	sand.u32 @!p0 $0x1FFFFE00, s4  }
0x66: {  	s1 =	sadd.s32 @!p0 s18, s1  }
0x67: {  	s17 =	sshrl.u32 @!p0 s8, $0x3;
	s4 =	sadd.s32 @!p0 $0xF4280, s1  }
0x68: {  	[spmem:s17], [sflag:s25] =	dma.local @!p0 [hbm:s4], $0x200  }
0x69: {  	s4 =	sadd.s32 @!p0 $0x1E8500, s1;
	s17 =	sshrl.u32 @!p0 s9, $0x3  }
0x6a: {  	[spmem:s17], [sflag:s25] =	dma.local @!p0 [hbm:s4], $0x200  }
0x6b: {  	s4 =	sadd.s32 @!p0 $0x2DC780, s1;
	s17 =	sshrl.u32 @!p0 s10, $0x3  }
0x6c: {  	[spmem:s17], [sflag:s25] =	dma.local @!p0 [hbm:s4], $0x200  }
0x6d: {  	s4 =	sadd.s32 @!p0 $0x3D0A00, s1;
	s17 =	sshrl.u32 @!p0 s11, $0x3  }
0x6e: {  	[spmem:s17], [sflag:s25] =	dma.local @!p0 [hbm:s4], $0x200  }
0x6f: {  	s4 =	sadd.s32 @!p0 $0x4C4C80, s1;
	s17 =	sshrl.u32 @!p0 s12, $0x3  }
0x70: {  	[spmem:s17], [sflag:s25] =	dma.local @!p0 [hbm:s4], $0x200  }
.Ltmp6:
0x71: {  	_ = 	snop;
	(pc) =	sbr.rel .LBB2_5-.Ltmp6, $4  }
0x72: {  	s4 =	sadd.s32 @!p0 $0x5B8F00, s1;
	s17 =	sshrl.u32 @!p0 s13, $0x3  }
0x73: {  	[spmem:s17], [sflag:s25] =	dma.local @!p0 [hbm:s4], $0x200  }
0x74: {  	s1 =	sadd.s32 @!p0 $0x6AD180, s1;
	s4 =	sshrl.u32 @!p0 s14, $0x3  }
0x75: {  	[spmem:s4], [sflag:s25] =	dma.local @!p0 [hbm:s1], $0x200  }
.LBB2_4:
0x76: {  	s18 =	stileid.u32  }
0x77: {  	s21 =	smov.u32 s20;
	s20 =	smov.u32 s19;
	s17 =	sshll.u32 @p0 s18, $0x6  }
0x78: {  	s28 =	sshrl.u32 @p0 s15, $0x3;
	s19 =	rddreg [dreg:$0x18];
	s17 =	sor.u32 @p0 $0x1C02, s17  }
0x79: {  	[spmem:s28], [sflag:s17] =	dma.local @p0 [hbm:s19], $0x1000  }
0x7a: {  	s17 =	sshll.u32 @!p0 s18, $0x6;
	s18 =	sshrl.u32 @!p0 s15, $0x3;
	s19 =	rddreg [dreg:$0x2]  }
0x7b: {  	s17 =	sor.u32 @!p0 $0x1C02, s17;
	s28 =	sadd.s32 @!p0 s19, s4;
	s4 =	sand.u32 @!p0 $0x1FFFFE00, s4  }
0x7c: {  	[spmem:s18], [sflag:s17] =	dma.local @!p0 [hbm:s28], $0x200  }
0x7d: {  	s4 =	sadd.s32 @!p0 s19, s4;
	s19 =	rddreg [dreg:$0x1c]  }
0x7e: {  	s18 =	sadd.s32 @!p0 $0xF4280, s4;
	s28 =	sshrl.u32 @!p0 s19, $0x3  }
0x7f: {  	[spmem:s28], [sflag:s17] =	dma.local @!p0 [hbm:s18], $0x200  }
0x80: {  	s19 =	rddreg [dreg:$0x1d]  }
0x81: {  	s18 =	sadd.s32 @!p0 $0x1E8500, s4;
	s28 =	sshrl.u32 @!p0 s19, $0x3  }
0x82: {  	[spmem:s28], [sflag:s17] =	dma.local @!p0 [hbm:s18], $0x200  }
0x83: {  	s19 =	rddreg [dreg:$0x1e]  }
0x84: {  	s18 =	sadd.s32 @!p0 $0x2DC780, s4;
	s28 =	sshrl.u32 @!p0 s19, $0x3  }
0x85: {  	[spmem:s28], [sflag:s17] =	dma.local @!p0 [hbm:s18], $0x200  }
0x86: {  	s19 =	rddreg [dreg:$0x1f]  }
0x87: {  	s18 =	sadd.s32 @!p0 $0x3D0A00, s4;
	s28 =	sshrl.u32 @!p0 s19, $0x3  }
0x88: {  	[spmem:s28], [sflag:s17] =	dma.local @!p0 [hbm:s18], $0x200  }
0x89: {  	s19 =	sld [smem:$0x7FD];
	_ =	sdelay $0x2  }
0x8a: {  	s18 =	sadd.s32 @!p0 $0x4C4C80, s4;
	s28 =	sshrl.u32 @!p0 s19, $0x3  }
0x8b: {  	[spmem:s28], [sflag:s17] =	dma.local @!p0 [hbm:s18], $0x200  }
0x8c: {  	s18 =	sadd.s32 @!p0 $0x5B8F00, s4;
	s28 =	sshrl.u32 @!p0 s22, $0x3  }
0x8d: {  	[spmem:s28], [sflag:s17] =	dma.local @!p0 [hbm:s18], $0x200  }
0x8e: {  	s4 =	sadd.s32 @!p0 $0x6AD180, s4;
	s18 =	sshrl.u32 @!p0 s23, $0x3  }
0x8f: {  	[spmem:s18], [sflag:s17] =	dma.local @!p0 [hbm:s4], $0x200  }
0x90: {  	p0 =	seq.s32 s1, $0x0  }
.Ltmp7:
0x91: {  	_ = 	snop;
	(pc) =	sbr.rel @p0 .LBB2_6-.Ltmp7, $4  }
0x92: {  	_ = 	snop  }
0x93: {  	_ =	swait.ge [sflag:s29], $0x1000  }
0x94: {  	[sflag:s29] =	ssyncset.done $0x0  }
0x95: {  	s19 =	smov.u32 s20;
	s20 =	smov.u32 s21;
	[sflag:s29] =	ssyncadd.s32 $0xFFFFF000  }
.LBB2_5:
0x96: {  	_ =	swait.ge [sflag:s30], $0x1000  }
0x97: {  	[sflag:s30] =	ssyncset.done $0x0  }
0x98: {  	[sflag:s30] =	ssyncadd.s32 $0xFFFFF000  }
.LBB2_6:
0x99: {  	s28 =	sadd.s32 s16, s5  }
0x9a: {  	v1 =	vmov s28;
	s1 =	sadd.s32 $0x1, s28  }
0x9b: {  	v2 =	vmov s1;
	_ =	sdelay $0x3  }
0x9c: {  	v1 =	vld.idx.msk [tilespmem:v1+s24+$0x0], $0xffff  }
0x9d: {  	v2 =	vld.idx.msk [tilespmem:v2+s24+$0x0], $0xffff;
	_ =	sdelay $0x3  }
0x9e: {  	v1 =	vxor.u32 $0x80000000, v1  }
0x9f: {  	(xrf0) =	vmax.scan.msk.u32 $0xffff, v1;
	v1 =	vxor.u32 $0x80000000, v2  }
0xa0: {  	(xrf0) =	vmax.scan.msk.u32 $0xffff, v1;
	_ =	sdelay $0x4  }
0xa1: {  	v1, _, _ =	vpop (xrf0)  }
0xa2: {  	(v2sf) =	vpush v1, $0xF;
	v1, _, _ =	vpop (xrf0)  }
0xa3: {  	(v2sf) =	vpush v1, $0xF;
	_ =	sdelay $0xd  }
0xa4: {  	s1 =	spop (v2sf)  }
0xa5: {  	s4 =	spop (v2sf)  }
0xa6: {  	p0 =	sle.u32 s4, s1  }
0xa7: {  	s1 =	sxor.u32 @!p0 $0x80000000, s1;
	s4 =	sadd.s32 @!p0 $0x8000000F, s4  }
0xa8: {  	s5 =	sshra.s32 @!p0 s1, $0x1F;
	s17 =	sshra.s32 @!p0 s4, $0x1F  }
0xa9: {  	s5 =	sshrl.u32 @!p0 s5, $0x1C;
	s17 =	sshrl.u32 @!p0 s17, $0x1C  }
0xaa: {  	s1 =	sadd.s32 @!p0 s5, s1;
	s4 =	sadd.s32 @!p0 s17, s4  }
0xab: {  	s5 =	sshra.s32 @!p0 s1, $0x4;
	s1 =	sshra.s32 @!p0 s4, $0x4  }
0xac: {  	p1 =	sge.s32 @!p0 s5, s1  }
0xad: {  	p0 =	por p0, p1  }
.Ltmp8:
0xae: {  	_ = 	snop;
	(pc) =	sbr.rel @p0 .LBB2_11-.Ltmp8, $1  }
0xaf: {  	_ =	sdelay $0x3  }
0xb0: {  	s4 =	sshll.u32 s28, $0x9  }
0xb1: {  	p0 =	sgt.u32 s28, $0x7A0;
	s17 =	smov.u32 s4  }
0xb2: {  	s18 =	sadd.s32 $0x200, s4;
	s17 =	simm.s32 @p0 $0xF4040  }
0xb3: {  	v1 =	vmov s4;
	v2 =	vmov s18;
	v3 =	vmov s17  }
.LBB2_8:
0xb4: {  	s4 =	sshll.u32 s5, $0x4  }
0xb5: {  	v4 =	vld [tilespmem:s4+$0x10000];
	_ =	sdelay $0x4  }
0xb6: {  	v5 =	vsub.s32 v4, v3  }
0xb7: {  	s28 =	simm.s32 $0x0;
	vm1 =	vgt.s32 v5, $0x0  }
0xb8: {  	v7 =	vmov s28;
	v5 =	vnsel vm1, $0x0, v5  }
0xb9: {  	v6 =	vmin.u32 v5, $0x7F;
	v5 =	vshll.u32 v7, $0x7  }
0xba: {  	v7 =	vor.u32 v6, v5;
	_ =	sdelay $0x3  }
0xbb: {  	v5 =	vld [tilespmem:s4+$0x14000];
	s4 =	simm.s32 $0x1  }
0xbc: {  	s17 =	simm.s32 $0x2;
	v8 =	vmov s4;
	v7 =	vld.idx.msk [tilespmem:v7+s31+$0x0], $0xffff  }
.LBB2_9:
0xbd: {  	p0 =	sne.s32 s17, $0x3F;
	v8 =	vshll.u32 v8, $0x7;
	v9 =	vor.u32 s28, v0;
	s28 =	smov.u32 s4;
	s4 =	smov.u32 s17  }
0xbe: {  	v10 =	vor.u32 v6, v8  }
.Ltmp9:
0xbf: {  	(pc) =	sbr.rel @p0 .LBB2_9-.Ltmp9, $3  }
0xc0: {  	_ =	sdelay $0x1  }
0xc1: {  	[tilespmem:v9+s31+$0x0] =	vst.idx.msk $0xffff, v7  }
0xc2: {  	s17 =	sadd.s32 $0x1, s17;
	v8 =	vmov s4;
	v7 =	vld.idx.msk [tilespmem:v10+s31+$0x0], $0xffff  }
0xc3: {  	v8 =	vshll.u32 v8, $0x7;
	v9 =	vor.u32 s28, v0  }
0xc4: {  	v6 =	vor.u32 v6, v8;
	_ =	sdelay $0x3  }
0xc5: {  	[tilespmem:v9+s31+$0x0] =	vst.idx.msk $0xffff, v7  }
0xc6: {  	v63 =	vor.u32 s4, v0;
	vm1 =	vge.s32 v4, v1;
	vm2 =	vlt.s32 v4, v2;
	v6 =	vld.idx.msk [tilespmem:v6+s31+$0x0], $0xffff  }
0xc7: {  	vm1 =	vmand vm1, vm2  }
0xc8: {  	v4 =	vnsel vm1, $0xFFFFFFFF, v5;
	_ =	sdelay $0x2  }
0xc9: {  	s5 =	sadd.s32 $0x1, s5;
	[tilespmem:v63+s31+$0x0] =	vst.idx.msk $0xffff, v6;
	(ifvalue) =	ssetifvalue $0xFFFFFFFF  }
0xca: {  	p0 =	sne.s32 s5, s1;
	(ifvalue) =	ssetifvalue $0xFFFFFFFF  }
0xcb: {  	[hbm4b:s2+s6] =	stream.indirect_vreg.scatter [tilespmem:s31], [sflag:$0x3], $0x80, v4, vm0, $0x40b8;
	[tilespmem:$0x19000] =	vst v63  }
.Ltmp10:
0xcc: {  	_ = 	snop;
	(pc) =	sbr.rel @p0 .LBB2_8-.Ltmp10, $4  }
.Ltmp11:
0xcd: {  	_ = 	snop;
	(pc) =	sbr.rel @!p0 .LBB2_11-.Ltmp11, $4  }
0xce: {  	_ =	swait.ge [sflag:s26], $0x800  }
0xcf: {  	[sflag:s26] =	ssyncset.done $0x0  }
0xd0: {  	[sflag:s26] =	ssyncadd.s32 $0xFFFFF800  }
0xd1: {  	_ = 	snop  }
.LBB2_12:
0xd2: {  	s3 =	simm.s32 $0x0;
	s1 =	rddreg [dreg:$0x1b];
	s4 =	simm.s32 $0x4  }
0xd3: {  	[tilespmem:s24], [sflag:$0x4] =	stream.linear.gather [hbm4b:s1+s3], $0x800, $0x38;
	[tilespmem:$0x19000] =	vst v63  }
0xd4: {  	_ =	swait.ge [sflag:s4], $0x800  }
0xd5: {  	[sflag:s4] =	ssyncset.done $0x0  }
0xd6: {  	s5 =	simm.s32 $0x10000;
	s28 =	rddreg [dreg:$0x19];
	[sflag:s4] =	ssyncadd.s32 $0xFFFFF800  }
0xd7: {  	[tilespmem:s5], [sflag:$0x4] =	stream.linear.gather [hbm4b:s28+s3], $0x4000, $0x38;
	[tilespmem:$0x19000] =	vst v63  }
0xd8: {  	_ =	swait.ge [sflag:s4], $0x4000  }
0xd9: {  	[sflag:s4] =	ssyncset.done $0x0  }
0xda: {  	s18 =	simm.s32 $0x14000;
	s17 =	rddreg [dreg:$0x1a];
	[sflag:s4] =	ssyncadd.s32 $0xFFFFC000  }
0xdb: {  	[tilespmem:s18], [sflag:$0x4] =	stream.linear.gather [hbm4b:s17+s3], $0x4000, $0x38;
	[tilespmem:$0x19000] =	vst v63  }
0xdc: {  	_ =	swait.ge [sflag:s4], $0x4000  }
0xdd: {  	s28 =	sld [smem:$0x7F5]  }
0xde: {  	[sflag:s4] =	ssyncset.done $0x0  }
0xdf: {  	s21 =	rddreg [dreg:$0xe];
	[sflag:s4] =	ssyncadd.s32 $0xFFFFC000  }
0xe0: {  	[spmem:s28], [sflag:s25] =	dma.local [hbm:s21], $0x200  }
0xe1: {  	s4 =	sld [smem:$0x7F6];
	_ =	sdelay $0x1  }
0xe2: {  	s1 =	rddreg [dreg:$0xf]  }
0xe3: {  	[spmem:s4], [sflag:s25] =	dma.local [hbm:s1], $0x200  }
0xe4: {  	s4 =	sld [smem:$0x7F7];
	_ =	sdelay $0x1  }
0xe5: {  	s1 =	rddreg [dreg:$0x10]  }
0xe6: {  	[spmem:s4], [sflag:s25] =	dma.local [hbm:s1], $0x200  }
0xe7: {  	s4 =	sld [smem:$0x7F8];
	_ =	sdelay $0x1  }
0xe8: {  	s1 =	rddreg [dreg:$0x11]  }
0xe9: {  	[spmem:s4], [sflag:s25] =	dma.local [hbm:s1], $0x200  }
0xea: {  	s4 =	sld [smem:$0x7F9];
	_ =	sdelay $0x1  }
0xeb: {  	s1 =	rddreg [dreg:$0x12]  }
0xec: {  	[spmem:s4], [sflag:s25] =	dma.local [hbm:s1], $0x200  }
0xed: {  	s4 =	sld [smem:$0x7FA];
	_ =	sdelay $0x1  }
0xee: {  	s1 =	rddreg [dreg:$0x13]  }
0xef: {  	[spmem:s4], [sflag:s25] =	dma.local [hbm:s1], $0x200  }
0xf0: {  	s4 =	sld [smem:$0x7FB];
	_ =	sdelay $0x1  }
0xf1: {  	s1 =	rddreg [dreg:$0x14]  }
0xf2: {  	[spmem:s4], [sflag:s25] =	dma.local [hbm:s1], $0x200  }
.Ltmp12:
0xf3: {  	_ = 	snop;
	(pc) =	sbr.rel .LBB2_13-.Ltmp12, $3  }
0xf4: {  	s4 =	sld [smem:$0x7FC];
	_ =	sdelay $0x1  }
0xf5: {  	s1 =	rddreg [dreg:$0x15]  }
0xf6: {  	[spmem:s4], [sflag:s25] =	dma.local [hbm:s1], $0x200  }
.LBB2_22:
0xf7: {  	p0 =	sne.s32 s5, $0x3E  }
.Ltmp13:
0xf8: {  	_ = 	snop;
	(pc) =	sbr.rel @!p0 .LBB2_23-.Ltmp13, $2  }
0xf9: {  	_ =	sdelay $0x2  }
0xfa: {  	s3 =	smov.u32 s5  }
.LBB2_13:
0xfb: {  	p0 =	seq.s32 s3, $0x3D  }
.Ltmp14:
0xfc: {  	_ = 	snop;
	(pc) =	sbr.rel @p0 .LBB2_16-.Ltmp14, $2  }
0xfd: {  	_ =	sdelay $0x2  }
0xfe: {  	s5 =	sadd.s32 $0x1, s3  }
0xff: {  	s1 =	sand.u32 $0x1, s3  }
0x100: {  	p1 =	seq.s32 s1, $0x1  }
.Ltmp15:
0x101: {  	_ = 	snop;
	(pc) =	sbr.rel @!p1 .LBB2_15-.Ltmp15, $4  }
0x102: {  	_ = 	snop  }
0x103: {  	s4 =	sadd.s32 s16, s5  }
0x104: {  	p0 =	sgt.u32 s4, $0x7A0  }
0x105: {  	s4 =	sshll.u32 @!p0 s4, $0x9  }
0x106: {  	s1 =	sshrl.u32 @p0 s7, $0x3  }
0x107: {  	[spmem:s1], [sflag:s25] =	dma.local @p0 [hbm:s20], $0x1000  }
0x108: {  	s17 =	sshrl.u32 @!p0 s7, $0x3;
	s1 =	sadd.s32 @!p0 s19, s4  }
0x109: {  	[spmem:s17], [sflag:s25] =	dma.local @!p0 [hbm:s1], $0x200  }
0x10a: {  	s1 =	sand.u32 @!p0 $0x1FFFFE00, s4  }
0x10b: {  	s1 =	sadd.s32 @!p0 s19, s1  }
0x10c: {  	s17 =	sshrl.u32 @!p0 s8, $0x3;
	s4 =	sadd.s32 @!p0 $0xF4280, s1  }
0x10d: {  	[spmem:s17], [sflag:s25] =	dma.local @!p0 [hbm:s4], $0x200  }
0x10e: {  	s4 =	sadd.s32 @!p0 $0x1E8500, s1;
	s17 =	sshrl.u32 @!p0 s9, $0x3  }
0x10f: {  	[spmem:s17], [sflag:s25] =	dma.local @!p0 [hbm:s4], $0x200  }
0x110: {  	s4 =	sadd.s32 @!p0 $0x2DC780, s1;
	s17 =	sshrl.u32 @!p0 s10, $0x3  }
0x111: {  	[spmem:s17], [sflag:s25] =	dma.local @!p0 [hbm:s4], $0x200  }
0x112: {  	s4 =	sadd.s32 @!p0 $0x3D0A00, s1;
	s17 =	sshrl.u32 @!p0 s11, $0x3  }
0x113: {  	[spmem:s17], [sflag:s25] =	dma.local @!p0 [hbm:s4], $0x200  }
0x114: {  	s4 =	sadd.s32 @!p0 $0x4C4C80, s1;
	s17 =	sshrl.u32 @!p0 s12, $0x3  }
0x115: {  	[spmem:s17], [sflag:s25] =	dma.local @!p0 [hbm:s4], $0x200  }
.Ltmp16:
0x116: {  	_ = 	snop;
	(pc) =	sbr.rel .LBB2_16-.Ltmp16, $4  }
0x117: {  	s4 =	sadd.s32 @!p0 $0x5B8F00, s1;
	s17 =	sshrl.u32 @!p0 s13, $0x3  }
0x118: {  	[spmem:s17], [sflag:s25] =	dma.local @!p0 [hbm:s4], $0x200  }
0x119: {  	s1 =	sadd.s32 @!p0 $0x6AD180, s1;
	s4 =	sshrl.u32 @!p0 s14, $0x3  }
0x11a: {  	[spmem:s4], [sflag:s25] =	dma.local @!p0 [hbm:s1], $0x200  }
.LBB2_15:
0x11b: {  	s28 =	stileid.u32  }
0x11c: {  	s17 =	sshll.u32 @p0 s28, $0x6  }
0x11d: {  	s18 =	sshrl.u32 @p0 s15, $0x3;
	s17 =	sor.u32 @p0 $0x1C02, s17  }
0x11e: {  	[spmem:s18], [sflag:s17] =	dma.local @p0 [hbm:s20], $0x1000  }
0x11f: {  	s17 =	sshll.u32 @!p0 s28, $0x6;
	s18 =	sadd.s32 @!p0 s19, s4  }
0x120: {  	s28 =	sshrl.u32 @!p0 s15, $0x3;
	s4 =	sand.u32 @!p0 $0x1FFFFE00, s4;
	s17 =	sor.u32 @!p0 $0x1C02, s17  }
0x121: {  	[spmem:s28], [sflag:s17] =	dma.local @!p0 [hbm:s18], $0x200  }
0x122: {  	s4 =	sadd.s32 @!p0 s19, s4;
	s21 =	rddreg [dreg:$0x1c]  }
0x123: {  	s18 =	sadd.s32 @!p0 $0xF4280, s4;
	s28 =	sshrl.u32 @!p0 s21, $0x3  }
0x124: {  	[spmem:s28], [sflag:s17] =	dma.local @!p0 [hbm:s18], $0x200  }
0x125: {  	s21 =	rddreg [dreg:$0x1d]  }
0x126: {  	s18 =	sadd.s32 @!p0 $0x1E8500, s4;
	s28 =	sshrl.u32 @!p0 s21, $0x3  }
0x127: {  	[spmem:s28], [sflag:s17] =	dma.local @!p0 [hbm:s18], $0x200  }
0x128: {  	s21 =	rddreg [dreg:$0x1e]  }
0x129: {  	s18 =	sadd.s32 @!p0 $0x2DC780, s4;
	s28 =	sshrl.u32 @!p0 s21, $0x3  }
0x12a: {  	[spmem:s28], [sflag:s17] =	dma.local @!p0 [hbm:s18], $0x200  }
0x12b: {  	s21 =	rddreg [dreg:$0x1f]  }
0x12c: {  	s18 =	sadd.s32 @!p0 $0x3D0A00, s4;
	s28 =	sshrl.u32 @!p0 s21, $0x3  }
0x12d: {  	[spmem:s28], [sflag:s17] =	dma.local @!p0 [hbm:s18], $0x200  }
0x12e: {  	s21 =	sld [smem:$0x7FD];
	_ =	sdelay $0x2  }
0x12f: {  	s18 =	sadd.s32 @!p0 $0x4C4C80, s4;
	s28 =	sshrl.u32 @!p0 s21, $0x3  }
0x130: {  	[spmem:s28], [sflag:s17] =	dma.local @!p0 [hbm:s18], $0x200  }
0x131: {  	s18 =	sadd.s32 @!p0 $0x5B8F00, s4;
	s28 =	sshrl.u32 @!p0 s22, $0x3  }
0x132: {  	[spmem:s28], [sflag:s17] =	dma.local @!p0 [hbm:s18], $0x200  }
0x133: {  	s4 =	sadd.s32 @!p0 $0x6AD180, s4;
	s18 =	sshrl.u32 @!p0 s23, $0x3  }
0x134: {  	[spmem:s18], [sflag:s17] =	dma.local @!p0 [hbm:s4], $0x200  }
0x135: {  	p0 =	seq.s32 s1, $0x0  }
.Ltmp17:
0x136: {  	_ = 	snop;
	(pc) =	sbr.rel @p0 .LBB2_17-.Ltmp17, $4  }
0x137: {  	_ = 	snop  }
0x138: {  	_ =	swait.ge [sflag:s29], $0x1000  }
0x139: {  	[sflag:s29] =	ssyncset.done $0x0  }
0x13a: {  	[sflag:s29] =	ssyncadd.s32 $0xFFFFF000  }
.LBB2_16:
0x13b: {  	_ =	swait.ge [sflag:s30], $0x1000  }
0x13c: {  	[sflag:s30] =	ssyncset.done $0x0  }
0x13d: {  	[sflag:s30] =	ssyncadd.s32 $0xFFFFF000  }
.LBB2_17:
0x13e: {  	s28 =	sadd.s32 s16, s3  }
0x13f: {  	v1 =	vmov s28;
	s1 =	sadd.s32 $0x1, s28  }
0x140: {  	v2 =	vmov s1;
	_ =	sdelay $0x3  }
0x141: {  	v1 =	vld.idx.msk [tilespmem:v1+s24+$0x0], $0xffff  }
0x142: {  	v2 =	vld.idx.msk [tilespmem:v2+s24+$0x0], $0xffff;
	_ =	sdelay $0x3  }
0x143: {  	v1 =	vxor.u32 $0x80000000, v1  }
0x144: {  	(xrf0) =	vmax.scan.msk.u32 $0xffff, v1;
	v1 =	vxor.u32 $0x80000000, v2  }
0x145: {  	(xrf0) =	vmax.scan.msk.u32 $0xffff, v1;
	_ =	sdelay $0x4  }
0x146: {  	v1, _, _ =	vpop (xrf0)  }
0x147: {  	(v2sf) =	vpush v1, $0xF;
	v1, _, _ =	vpop (xrf0)  }
0x148: {  	(v2sf) =	vpush v1, $0xF;
	_ =	sdelay $0xd  }
0x149: {  	s1 =	spop (v2sf)  }
0x14a: {  	s3 =	spop (v2sf)  }
0x14b: {  	p0 =	sle.u32 s3, s1  }
0x14c: {  	s1 =	sxor.u32 @!p0 $0x80000000, s1;
	s3 =	sadd.s32 @!p0 $0x8000000F, s3  }
0x14d: {  	s4 =	sshra.s32 @!p0 s1, $0x1F;
	s17 =	sshra.s32 @!p0 s3, $0x1F  }
0x14e: {  	s4 =	sshrl.u32 @!p0 s4, $0x1C;
	s17 =	sshrl.u32 @!p0 s17, $0x1C  }
0x14f: {  	s1 =	sadd.s32 @!p0 s4, s1;
	s4 =	sadd.s32 @!p0 s17, s3  }
0x150: {  	s3 =	sshra.s32 @!p0 s1, $0x4;
	s1 =	sshra.s32 @!p0 s4, $0x4  }
0x151: {  	p1 =	sge.s32 @!p0 s3, s1  }
0x152: {  	p0 =	por p0, p1  }
.Ltmp18:
0x153: {  	_ = 	snop;
	(pc) =	sbr.rel @p0 .LBB2_22-.Ltmp18, $1  }
0x154: {  	_ =	sdelay $0x3  }
0x155: {  	s4 =	sshll.u32 s28, $0x9  }
0x156: {  	p0 =	sgt.u32 s28, $0x7A0;
	s17 =	smov.u32 s4  }
0x157: {  	s18 =	sadd.s32 $0x200, s4;
	s17 =	simm.s32 @p0 $0xF4040  }
0x158: {  	v1 =	vmov s4;
	v2 =	vmov s18;
	v3 =	vmov s17  }
.LBB2_19:
0x159: {  	s4 =	sshll.u32 s3, $0x4  }
0x15a: {  	v4 =	vld [tilespmem:s4+$0x10000];
	_ =	sdelay $0x4  }
0x15b: {  	v5 =	vsub.s32 v4, v3  }
0x15c: {  	s28 =	simm.s32 $0x0;
	vm1 =	vgt.s32 v5, $0x0  }
0x15d: {  	v7 =	vmov s28;
	v5 =	vnsel vm1, $0x0, v5  }
0x15e: {  	v6 =	vmin.u32 v5, $0x7F;
	v5 =	vshll.u32 v7, $0x7  }
0x15f: {  	v7 =	vor.u32 v6, v5;
	_ =	sdelay $0x3  }
0x160: {  	v5 =	vld [tilespmem:s4+$0x14000];
	s4 =	simm.s32 $0x1  }
0x161: {  	s17 =	simm.s32 $0x2;
	v8 =	vmov s4;
	v7 =	vld.idx.msk [tilespmem:v7+s31+$0x0], $0xffff  }
.LBB2_20:
0x162: {  	p0 =	sne.s32 s17, $0x3F;
	v8 =	vshll.u32 v8, $0x7;
	v9 =	vor.u32 s28, v0;
	s28 =	smov.u32 s4;
	s4 =	smov.u32 s17  }
0x163: {  	v10 =	vor.u32 v6, v8  }
.Ltmp19:
0x164: {  	(pc) =	sbr.rel @p0 .LBB2_20-.Ltmp19, $3  }
0x165: {  	_ =	sdelay $0x1  }
0x166: {  	[tilespmem:v9+s31+$0x0] =	vst.idx.msk $0xffff, v7  }
0x167: {  	s17 =	sadd.s32 $0x1, s17;
	v8 =	vmov s4;
	v7 =	vld.idx.msk [tilespmem:v10+s31+$0x0], $0xffff  }
0x168: {  	v8 =	vshll.u32 v8, $0x7;
	v9 =	vor.u32 s28, v0  }
0x169: {  	v6 =	vor.u32 v6, v8;
	_ =	sdelay $0x3  }
0x16a: {  	[tilespmem:v9+s31+$0x0] =	vst.idx.msk $0xffff, v7  }
0x16b: {  	v63 =	vor.u32 s4, v0;
	vm1 =	vge.s32 v4, v1;
	vm2 =	vlt.s32 v4, v2;
	v6 =	vld.idx.msk [tilespmem:v6+s31+$0x0], $0xffff  }
0x16c: {  	vm1 =	vmand vm1, vm2  }
0x16d: {  	v4 =	vnsel vm1, $0xFFFFFFFF, v5;
	_ =	sdelay $0x2  }
0x16e: {  	s3 =	sadd.s32 $0x1, s3;
	[tilespmem:v63+s31+$0x0] =	vst.idx.msk $0xffff, v6;
	(ifvalue) =	ssetifvalue $0xFFFFFFFF  }
0x16f: {  	p0 =	sne.s32 s3, s1;
	(ifvalue) =	ssetifvalue $0xFFFFFFFF  }
0x170: {  	[hbm4b:s0+s6] =	stream.indirect_vreg.scatter [tilespmem:s31], [sflag:$0x3], $0x80, v4, vm0, $0x40b8;
	[tilespmem:$0x19000] =	vst v63  }
.Ltmp20:
0x171: {  	_ = 	snop;
	(pc) =	sbr.rel @p0 .LBB2_19-.Ltmp20, $4  }
.Ltmp21:
0x172: {  	_ = 	snop;
	(pc) =	sbr.rel @!p0 .LBB2_22-.Ltmp21, $4  }
0x173: {  	_ =	swait.ge [sflag:s26], $0x800  }
0x174: {  	[sflag:s26] =	ssyncset.done $0x0  }
0x175: {  	[sflag:s26] =	ssyncadd.s32 $0xFFFFF800  }
0x176: {  	_ = 	snop  }
.LBB2_24:
0x177: {  	_ =	sfence.sel $0x180000  }
0x178: {  	[bflag:$0x0] =	sbarrier.arrive $0xFFFF  }
0x179: {  	_ =	strace $0x90000047  }
0x17a: {  	s0 =	stileid.u32;
	[bflag:$0x2] =	sbarrier.arrive $0xFFFF  }
0x17b: {  	p0 =	sne.s32 s0, $0x0;
	s0 =	rddreg [dreg:$0x5]  }
0x17c: {  	s0 =	sadd.s32 @!p0 $0x100000, s0  }
0x17d: {  	[sflag:s0] =	ssyncadd.tile.s32 @!p0 $0x1;
	_ =	shalt  }
.Lfunc_end2:
_tile_overlayer_lowered:
.L_overlay_start_2:
0x17e: {  	(tag) =	ssettag $0x2  }
0x17f: {  	s0 =	rddreg [dreg:$0x0];
	s2 =	stileid.u32  }
0x180: {  	s1 =	rddreg [dreg:$0x1];
	p0 =	sne.s32 s2, $0x0  }
0x181: {  	s3 =	rddreg [dreg:$0x2];
	[bflag:$0x3] =	sbarrier.arrive $0xFFFF;
	s2 =	simm.s32 @!p0 $0x1C04  }
0x182: {  	[timem:s3], [sflag:s2] =	dma.local @!p0 [hbm:s0], s1  }
0x183: {  	s0 =	simm.s32 @!p0 $0x4  }
0x184: {  	_ =	swait.ge @!p0 [sflag:s0], s1  }
0x185: {  	s1 =	ssub.s32 @!p0 $0x0, s1;
	[sflag:s0] =	ssyncset.done @!p0 $0x0  }
0x186: {  	[sflag:s0] =	ssyncadd.s32 @!p0 s1  }
0x187: {  	[bflag:$0x3] =	sbarrier.arrive $0xFFFF  }
0x188: {  	_ =	shalt  }

</sc_bundles>
